<compile_context>
chip_gen: v7x
topology: tpu7x:2x2x1
jax: 0.10.2.dev20260603
libtpu: 0.0.44.dev20260713+nightly
codegen_flags: <defaults>
</compile_context>

<pallas_src>
import functools

import jax
import jax.numpy as jnp
from jax import lax
from jax.experimental import pallas as pl
from jax.experimental.pallas import tpu as pltpu
from jax.experimental.pallas import tpu_sc as plsc

_V = 1000000
_D = 32
_N = 16384 * 20
_NW = 32
_PER_W = _N // _NW
_C = 1024
_NCH = _PER_W // _C
_NBUF = 3

_TBLK = 32768
_QB = _TBLK // 4
_NSTEP = (_V + _TBLK - 1) // _TBLK
_VPACK = _NSTEP * _TBLK
_QSH = _QB.bit_length() - 1


def _sum_t_body(wt_ref, dt_ref, o_ref):
    s = wt_ref[...] + dt_ref[...]
    s2 = jnp.concatenate(
        [s[:, q * _QB:(q + 1) * _QB] for q in range(4)], axis=0)
    o_ref[...] = jnp.transpose(s2, (1, 0))


_sum_t = pl.pallas_call(
    _sum_t_body,
    grid=(_NSTEP,),
    in_specs=[
        pl.BlockSpec((_D, _TBLK), lambda i: (0, i)),
        pl.BlockSpec((_D, _TBLK), lambda i: (0, i)),
    ],
    out_specs=pl.BlockSpec((_QB, 4 * _D), lambda i: (i, 0)),
    out_shape=jax.ShapeDtypeStruct((_VPACK // 4, 4 * _D), jnp.float32),
)

_BB = 2048


def _to_out_body(in_ref, o_ref):
    t = jnp.transpose(in_ref[...], (1, 0))
    for h in range(20):
        o_ref[h, :, :] = t[_D * h:_D * (h + 1), :]


_to_out = pl.pallas_call(
    _to_out_body,
    grid=(16384 // _BB,),
    in_specs=[pl.BlockSpec((_BB, 20 * _D), lambda i: (i, 0))],
    out_specs=pl.BlockSpec((20, _D, _BB), lambda i: (0, 0, i)),
    out_shape=jax.ShapeDtypeStruct((20, _D, 16384), jnp.float32),
)

_mesh = plsc.VectorSubcoreMesh(core_axis_name="c", subcore_axis_name="s")


@functools.partial(
    pl.kernel,
    out_type=jax.ShapeDtypeStruct((_N, _D), jnp.float32),
    mesh=_mesh,
    scratch_types=(
        [pltpu.VMEM((_C,), jnp.int32) for _ in range(_NBUF)]
        + [pltpu.VMEM((_C, _D), jnp.float32) for _ in range(_NBUF)]
        + [pltpu.SemaphoreType.DMA for _ in range(3 * _NBUF)]
    ),
    compiler_params=pltpu.CompilerParams(use_tc_tiling_on_sc=False),
)
def _gather_rows(idx_hbm, s_hbm, out_hbm, *refs):
    idx_v = refs[:_NBUF]
    rows = refs[_NBUF:2 * _NBUF]
    sem_i = refs[2 * _NBUF:3 * _NBUF]
    sem_g = refs[3 * _NBUF:4 * _NBUF]
    sem_s = refs[4 * _NBUF:5 * _NBUF]

    wid = lax.axis_index("s") * 2 + lax.axis_index("c")
    base = wid * _PER_W

    cp_i = [None] * _NCH
    cp_g = [None] * _NCH
    cp_s = [None] * _NCH

    def issue_idx(ci):
        b = ci % _NBUF
        cp_i[ci] = pltpu.async_copy(
            idx_hbm.at[pl.ds(base + ci * _C, _C)], idx_v[b], sem_i[b])

    def issue_g(ci):
        b = ci % _NBUF
        cp_i[ci].wait()

        def remap(g, _):
            x = idx_v[b][pl.ds(g * 16, 16)]
            blk = lax.shift_right_logical(x, _QSH)
            lane = jnp.bitwise_and(x, _QB - 1)
            j = (lax.shift_left(lax.shift_right_logical(blk, 2), _QSH + 2)
                 + lax.shift_left(lane, 2)
                 + jnp.bitwise_and(blk, 3))
            idx_v[b][pl.ds(g * 16, 16)] = j
            return ()

        lax.fori_loop(0, _C // 16, remap, ())
        if ci >= _NBUF:
            cp_s[ci - _NBUF].wait()
        cp_g[ci] = pltpu.async_copy(s_hbm.at[idx_v[b]], rows[b], sem_g[b])

    def issue_s(ci):
        b = ci % _NBUF
        cp_g[ci].wait()
        cp_s[ci] = pltpu.async_copy(
            rows[b], out_hbm.at[pl.ds(base + ci * _C, _C)], sem_s[b])

    for ci in range(min(_NBUF, _NCH)):
        issue_idx(ci)
    issue_g(0)

    for ci in range(_NCH):
        issue_s(ci)
        if ci + _NBUF < _NCH:
            issue_idx(ci + _NBUF)
        if ci + 1 < _NCH:
            issue_g(ci + 1)

    for ci in range(max(0, _NCH - _NBUF), _NCH):
        if cp_s[ci] is not None:
            cp_s[ci].wait()


def kernel(indices, W, delta):
    idx_flat = indices.reshape(-1).astype(jnp.int32)
    s_packed = _sum_t(W.T, delta.T).reshape(_VPACK, _D)
    out = _gather_rows(idx_flat, s_packed)
    y3 = _to_out(out.reshape(16384, 20 * _D))
    return jnp.transpose(y3, (2, 0, 1))

# --- scband reference (transcript-rebuilt; emitter-appended) ---
"""Pipeline reference for scband-fine-tune-embedding-31293131718774 (READ-ONLY COPY).

The authoritative reference and input builder live on the scoring server;
editing this copy changes nothing except your own understanding.
"""

import jax, jax.numpy as jnp
import numpy as np

NUM_EMBEDDINGS = 1000000
EMBEDDING_DIM = 32
BATCH = 16384
HIST = 20


def setup_inputs(seed: int = 0) -> dict:
    key = jax.random.key(seed)
    k_idx, k_w = jax.random.split(key)
    indices = jax.random.randint(k_idx, (BATCH, HIST), 0, NUM_EMBEDDINGS, dtype=jnp.int64 if jax.config.jax_enable_x64 else jnp.int32)
    # Pretrained embedding table W (frozen). GloVe-like small norm.
    W = jax.random.normal(k_w, (NUM_EMBEDDINGS, EMBEDDING_DIM), dtype=jnp.float32) * 0.03
    # Fine-tuning delta table, initialized to zero (trainable in torch module).
    delta = jnp.zeros((NUM_EMBEDDINGS, EMBEDDING_DIM), dtype=jnp.float32)
    return {"indices": indices, "W": W, "delta": delta}


def reference(indices, W, delta):
    # W'[input] where W' = W + delta, computed as two gathers + add,
    # matching self.embedding(input) + self.delta(input).
    return jnp.take(W, indices, axis=0) + jnp.take(delta, indices, axis=0)

if __name__ == "__main__":
    import jax
    _d = setup_inputs()
    print(jax.jit(kernel)(*tuple(_d.values())))

</pallas_src>

<mosaic_0001>
#map = affine_map<(d0, d1) -> (0)>
#map1 = affine_map<(d0, d1) -> (0, 0)>
module attributes {stable_mosaic.version = 14 : i64} {
  func.func @_gather_rows(%arg0: i32, %arg1: i32, %arg2: memref<327680xi32, #tpu.memory_space<hbm>>, %arg3: memref<1015808x32xf32, #tpu.memory_space<hbm>>, %arg4: memref<327680x32xf32, #tpu.memory_space<hbm>>, %arg5: memref<1024xi32, #tpu.memory_space<vmem>>, %arg6: memref<1024xi32, #tpu.memory_space<vmem>>, %arg7: memref<1024xi32, #tpu.memory_space<vmem>>, %arg8: memref<1024x32xf32, #tpu.memory_space<vmem>>, %arg9: memref<1024x32xf32, #tpu.memory_space<vmem>>, %arg10: memref<1024x32xf32, #tpu.memory_space<vmem>>, %arg11: memref<!tpu.dma_semaphore, #tpu.memory_space<semaphore_mem>>, %arg12: memref<!tpu.dma_semaphore, #tpu.memory_space<semaphore_mem>>, %arg13: memref<!tpu.dma_semaphore, #tpu.memory_space<semaphore_mem>>, %arg14: memref<!tpu.dma_semaphore, #tpu.memory_space<semaphore_mem>>, %arg15: memref<!tpu.dma_semaphore, #tpu.memory_space<semaphore_mem>>, %arg16: memref<!tpu.dma_semaphore, #tpu.memory_space<semaphore_mem>>, %arg17: memref<!tpu.dma_semaphore, #tpu.memory_space<semaphore_mem>>, %arg18: memref<!tpu.dma_semaphore, #tpu.memory_space<semaphore_mem>>, %arg19: memref<!tpu.dma_semaphore, #tpu.memory_space<semaphore_mem>>) attributes {dimension_semantics = [#tpu.dimension_semantics<core_parallel>, #tpu.dimension_semantics<subcore_parallel>], iteration_bounds = array<i64: 2, 16>, scalar_prefetch = 0 : i64, scratch_operands = 15 : i64, tpu.core_type = #tpu.core_type<sc_vector_subcore>, window_params = [{transform_indices = #map}, {transform_indices = #map1}, {transform_indices = #map1}]} {
    %mul3A = arith.constant 2 : i32
    %mul3A_0 = arith.muli %arg1, %mul3A : i32
    %add3A = arith.addi %mul3A_0, %arg0 : i32
    %mul3A_1 = arith.constant 10240 : i32
    %mul3A_2 = arith.muli %add3A, %mul3A_1 : i32
    %add3A_3 = arith.constant 0 : i32
    %add3A_4 = arith.addi %mul3A_2, %add3A_3 : i32
    %dma_start3A = tpu.memref_slice %arg2[%add3A_4] : memref<327680xi32, #tpu.memory_space<hbm>> -> memref<1024xi32, #tpu.memory_space<hbm>>
    %dma_start3A_5 = tpu.memref_slice %arg2[%add3A_4] : memref<327680xi32, #tpu.memory_space<hbm>> -> memref<1024xi32, #tpu.memory_space<hbm>>
    tpu.enqueue_dma source(%dma_start3A_5 : memref<1024xi32, #tpu.memory_space<hbm>>) target(%arg5 : memref<1024xi32, #tpu.memory_space<vmem>>) target_semaphore(%arg11 : memref<!tpu.dma_semaphore, #tpu.memory_space<semaphore_mem>>)
    %add3A_6 = arith.constant 1024 : i32
    %add3A_7 = arith.addi %mul3A_2, %add3A_6 : i32
    %dma_start3A_8 = tpu.memref_slice %arg2[%add3A_7] : memref<327680xi32, #tpu.memory_space<hbm>> -> memref<1024xi32, #tpu.memory_space<hbm>>
    %dma_start3A_9 = tpu.memref_slice %arg2[%add3A_7] : memref<327680xi32, #tpu.memory_space<hbm>> -> memref<1024xi32, #tpu.memory_space<hbm>>
    tpu.enqueue_dma source(%dma_start3A_9 : memref<1024xi32, #tpu.memory_space<hbm>>) target(%arg6 : memref<1024xi32, #tpu.memory_space<vmem>>) target_semaphore(%arg12 : memref<!tpu.dma_semaphore, #tpu.memory_space<semaphore_mem>>)
    %add3A_10 = arith.constant 2048 : i32
    %add3A_11 = arith.addi %mul3A_2, %add3A_10 : i32
    %dma_start3A_12 = tpu.memref_slice %arg2[%add3A_11] : memref<327680xi32, #tpu.memory_space<hbm>> -> memref<1024xi32, #tpu.memory_space<hbm>>
    %dma_start3A_13 = tpu.memref_slice %arg2[%add3A_11] : memref<327680xi32, #tpu.memory_space<hbm>> -> memref<1024xi32, #tpu.memory_space<hbm>>
    tpu.enqueue_dma source(%dma_start3A_13 : memref<1024xi32, #tpu.memory_space<hbm>>) target(%arg7 : memref<1024xi32, #tpu.memory_space<vmem>>) target_semaphore(%arg13 : memref<!tpu.dma_semaphore, #tpu.memory_space<semaphore_mem>>)
    %dma_wait3A = tpu.memref_slice %arg2[%add3A_4] : memref<327680xi32, #tpu.memory_space<hbm>> -> memref<1024xi32, #tpu.memory_space<hbm>>
    %dma_wait3A_14 = tpu.memref_slice %arg2[%add3A_4] : memref<327680xi32, #tpu.memory_space<hbm>> -> memref<1024xi32, #tpu.memory_space<hbm>>
    tpu.wait_dma2 semaphore(%arg11 : memref<!tpu.dma_semaphore, #tpu.memory_space<semaphore_mem>>) src(%dma_wait3A_14 : memref<1024xi32, #tpu.memory_space<hbm>>) dst(%arg5 : memref<1024xi32, #tpu.memory_space<vmem>>)
    %scan3A = arith.constant 0 : i32
    %scan3A_15 = arith.constant 64 : i32
    %scan3A_16 = arith.addi %scan3A, %scan3A_15 : i32
    %scan3A_17 = arith.constant 1 : i32
    scf.for %scan3A_270 = %scan3A to %scan3A_16 step %scan3A_17  : i32 {
      %mul3A_271 = arith.constant 16 : i32
      %mul3A_272 = arith.muli %scan3A_270, %mul3A_271 : i32
      %get3A = arith.index_cast %mul3A_272 : i32 to index
      %get3A_273 = tpu.vector_load %arg5[%get3A] {strides = array<i32>} : memref<1024xi32, #tpu.memory_space<vmem>>, vector<16xi32>,
      %get3A_274 = vector.shape_cast %get3A_273 : vector<16xi32> to vector<16xi32>
      %shift_right_logical3A = arith.constant 13 : i32
      %shift_right_logical3A_275 = vector.broadcast %shift_right_logical3A : i32 to vector<16xi32>
      %shift_right_logical3A_276 = arith.shrui %get3A_274, %shift_right_logical3A_275 : vector<16xi32>
      %and3A = arith.constant 8191 : i32
      %and3A_277 = vector.broadcast %and3A : i32 to vector<16xi32>
      %and3A_278 = arith.andi %get3A_274, %and3A_277 : vector<16xi32>
      %shift_right_logical3A_279 = arith.constant 2 : i32
      %shift_right_logical3A_280 = vector.broadcast %shift_right_logical3A_279 : i32 to vector<16xi32>
      %shift_right_logical3A_281 = arith.shrui %shift_right_logical3A_276, %shift_right_logical3A_280 : vector<16xi32>
      %shift_left3A = arith.constant 15 : i32
      %shift_left3A_282 = vector.broadcast %shift_left3A : i32 to vector<16xi32>
      %shift_left3A_283 = arith.shli %shift_right_logical3A_281, %shift_left3A_282 : vector<16xi32>
      %shift_left3A_284 = arith.constant 2 : i32
      %shift_left3A_285 = vector.broadcast %shift_left3A_284 : i32 to vector<16xi32>
      %shift_left3A_286 = arith.shli %and3A_278, %shift_left3A_285 : vector<16xi32>
      %add3A_287 = arith.addi %shift_left3A_283, %shift_left3A_286 : vector<16xi32>
      %and3A_288 = arith.constant 3 : i32
      %and3A_289 = vector.broadcast %and3A_288 : i32 to vector<16xi32>
      %and3A_290 = arith.andi %shift_right_logical3A_276, %and3A_289 : vector<16xi32>
      %add3A_291 = arith.addi %add3A_287, %and3A_290 : vector<16xi32>
      %mul3A_292 = arith.constant 16 : i32
      %mul3A_293 = arith.muli %scan3A_270, %mul3A_292 : i32
      %swap3A = arith.index_cast %mul3A_293 : i32 to index
      %swap3A_294 = tpu.vector_load %arg5[%swap3A] {strides = array<i32>} : memref<1024xi32, #tpu.memory_space<vmem>>, vector<16xi32>,
      %swap3A_295 = vector.shape_cast %swap3A_294 : vector<16xi32> to vector<16xi32>
      %swap3A_296 = vector.shape_cast %add3A_291 : vector<16xi32> to vector<16xi32>
      tpu.vector_store %arg5[%swap3A], %swap3A_296 {strides = array<i32>} : memref<1024xi32, #tpu.memory_space<vmem>>, vector<16xi32>,
    }
    %scan3A_18 = arith.constant 64 : i32
    %dma_start3A_19 = arith.constant 0 : i32
    %dma_start3A_20 = arith.constant 0 : i32
    %dma_start3A_21 = tpu.memref_slice %arg3[%dma_start3A_19, %dma_start3A_20] : memref<1015808x32xf32, #tpu.memory_space<hbm>> -> memref<1015808x32xf32, #tpu.memory_space<hbm>>
    tpu.enqueue_indirect_dma source(%dma_start3A_21 : memref<1015808x32xf32, #tpu.memory_space<hbm>>) target(%arg8 : memref<1024x32xf32, #tpu.memory_space<vmem>>) offsets(%arg5 : memref<1024xi32, #tpu.memory_space<vmem>>) semaphore(%arg14 : memref<!tpu.dma_semaphore, #tpu.memory_space<semaphore_mem>>)
    %dma_wait3A_22 = arith.constant 0 : i32
    %dma_wait3A_23 = arith.constant 0 : i32
    %dma_wait3A_24 = tpu.memref_slice %arg3[%dma_wait3A_22, %dma_wait3A_23] : memref<1015808x32xf32, #tpu.memory_space<hbm>> -> memref<1015808x32xf32, #tpu.memory_space<hbm>>
    tpu.wait_indirect_dma semaphore(%arg14 : memref<!tpu.dma_semaphore, #tpu.memory_space<semaphore_mem>>) src(%dma_wait3A_24 : memref<1015808x32xf32, #tpu.memory_space<hbm>>) dst(%arg8 : memref<1024x32xf32, #tpu.memory_space<vmem>>)
    %add3A_25 = arith.constant 0 : i32
    %add3A_26 = arith.addi %mul3A_2, %add3A_25 : i32
    %dma_start3A_27 = arith.constant 0 : i32
    %dma_start3A_28 = tpu.memref_slice %arg4[%add3A_26, %dma_start3A_27] : memref<327680x32xf32, #tpu.memory_space<hbm>> -> memref<1024x32xf32, #tpu.memory_space<hbm>>
    %dma_start3A_29 = arith.constant 0 : i32
    %dma_start3A_30 = tpu.memref_slice %arg4[%add3A_26, %dma_start3A_29] : memref<327680x32xf32, #tpu.memory_space<hbm>> -> memref<1024x32xf32, #tpu.memory_space<hbm>>
    tpu.enqueue_dma source(%arg8 : memref<1024x32xf32, #tpu.memory_space<vmem>>) target(%dma_start3A_30 : memref<1024x32xf32, #tpu.memory_space<hbm>>) target_semaphore(%arg17 : memref<!tpu.dma_semaphore, #tpu.memory_space<semaphore_mem>>)
    %add3A_31 = arith.constant 3072 : i32
    %add3A_32 = arith.addi %mul3A_2, %add3A_31 : i32
    %dma_start3A_33 = tpu.memref_slice %arg2[%add3A_32] : memref<327680xi32, #tpu.memory_space<hbm>> -> memref<1024xi32, #tpu.memory_space<hbm>>
    %dma_start3A_34 = tpu.memref_slice %arg2[%add3A_32] : memref<327680xi32, #tpu.memory_space<hbm>> -> memref<1024xi32, #tpu.memory_space<hbm>>
    tpu.enqueue_dma source(%dma_start3A_34 : memref<1024xi32, #tpu.memory_space<hbm>>) target(%arg5 : memref<1024xi32, #tpu.memory_space<vmem>>) target_semaphore(%arg11 : memref<!tpu.dma_semaphore, #tpu.memory_space<semaphore_mem>>)
    %dma_wait3A_35 = tpu.memref_slice %arg2[%add3A_7] : memref<327680xi32, #tpu.memory_space<hbm>> -> memref<1024xi32, #tpu.memory_space<hbm>>
    %dma_wait3A_36 = tpu.memref_slice %arg2[%add3A_7] : memref<327680xi32, #tpu.memory_space<hbm>> -> memref<1024xi32, #tpu.memory_space<hbm>>
    tpu.wait_dma2 semaphore(%arg12 : memref<!tpu.dma_semaphore, #tpu.memory_space<semaphore_mem>>) src(%dma_wait3A_36 : memref<1024xi32, #tpu.memory_space<hbm>>) dst(%arg6 : memref<1024xi32, #tpu.memory_space<vmem>>)
    %scan3A_37 = arith.constant 0 : i32
    %scan3A_38 = arith.constant 64 : i32
    %scan3A_39 = arith.addi %scan3A_37, %scan3A_38 : i32
    %scan3A_40 = arith.constant 1 : i32
    scf.for %scan3A_270 = %scan3A_37 to %scan3A_39 step %scan3A_40  : i32 {
      %mul3A_271 = arith.constant 16 : i32
      %mul3A_272 = arith.muli %scan3A_270, %mul3A_271 : i32
      %get3A = arith.index_cast %mul3A_272 : i32 to index
      %get3A_273 = tpu.vector_load %arg6[%get3A] {strides = array<i32>} : memref<1024xi32, #tpu.memory_space<vmem>>, vector<16xi32>,
      %get3A_274 = vector.shape_cast %get3A_273 : vector<16xi32> to vector<16xi32>
      %shift_right_logical3A = arith.constant 13 : i32
      %shift_right_logical3A_275 = vector.broadcast %shift_right_logical3A : i32 to vector<16xi32>
      %shift_right_logical3A_276 = arith.shrui %get3A_274, %shift_right_logical3A_275 : vector<16xi32>
      %and3A = arith.constant 8191 : i32
      %and3A_277 = vector.broadcast %and3A : i32 to vector<16xi32>
      %and3A_278 = arith.andi %get3A_274, %and3A_277 : vector<16xi32>
      %shift_right_logical3A_279 = arith.constant 2 : i32
      %shift_right_logical3A_280 = vector.broadcast %shift_right_logical3A_279 : i32 to vector<16xi32>
      %shift_right_logical3A_281 = arith.shrui %shift_right_logical3A_276, %shift_right_logical3A_280 : vector<16xi32>
      %shift_left3A = arith.constant 15 : i32
      %shift_left3A_282 = vector.broadcast %shift_left3A : i32 to vector<16xi32>
      %shift_left3A_283 = arith.shli %shift_right_logical3A_281, %shift_left3A_282 : vector<16xi32>
      %shift_left3A_284 = arith.constant 2 : i32
      %shift_left3A_285 = vector.broadcast %shift_left3A_284 : i32 to vector<16xi32>
      %shift_left3A_286 = arith.shli %and3A_278, %shift_left3A_285 : vector<16xi32>
      %add3A_287 = arith.addi %shift_left3A_283, %shift_left3A_286 : vector<16xi32>
      %and3A_288 = arith.constant 3 : i32
      %and3A_289 = vector.broadcast %and3A_288 : i32 to vector<16xi32>
      %and3A_290 = arith.andi %shift_right_logical3A_276, %and3A_289 : vector<16xi32>
      %add3A_291 = arith.addi %add3A_287, %and3A_290 : vector<16xi32>
      %mul3A_292 = arith.constant 16 : i32
      %mul3A_293 = arith.muli %scan3A_270, %mul3A_292 : i32
      %swap3A = arith.index_cast %mul3A_293 : i32 to index
      %swap3A_294 = tpu.vector_load %arg6[%swap3A] {strides = array<i32>} : memref<1024xi32, #tpu.memory_space<vmem>>, vector<16xi32>,
      %swap3A_295 = vector.shape_cast %swap3A_294 : vector<16xi32> to vector<16xi32>
      %swap3A_296 = vector.shape_cast %add3A_291 : vector<16xi32> to vector<16xi32>
      tpu.vector_store %arg6[%swap3A], %swap3A_296 {strides = array<i32>} : memref<1024xi32, #tpu.memory_space<vmem>>, vector<16xi32>,
    }
    %scan3A_41 = arith.constant 64 : i32
    %dma_start3A_42 = arith.constant 0 : i32
    %dma_start3A_43 = arith.constant 0 : i32
    %dma_start3A_44 = tpu.memref_slice %arg3[%dma_start3A_42, %dma_start3A_43] : memref<1015808x32xf32, #tpu.memory_space<hbm>> -> memref<1015808x32xf32, #tpu.memory_space<hbm>>
    tpu.enqueue_indirect_dma source(%dma_start3A_44 : memref<1015808x32xf32, #tpu.memory_space<hbm>>) target(%arg9 : memref<1024x32xf32, #tpu.memory_space<vmem>>) offsets(%arg6 : memref<1024xi32, #tpu.memory_space<vmem>>) semaphore(%arg15 : memref<!tpu.dma_semaphore, #tpu.memory_space<semaphore_mem>>)
    %dma_wait3A_45 = arith.constant 0 : i32
    %dma_wait3A_46 = arith.constant 0 : i32
    %dma_wait3A_47 = tpu.memref_slice %arg3[%dma_wait3A_45, %dma_wait3A_46] : memref<1015808x32xf32, #tpu.memory_space<hbm>> -> memref<1015808x32xf32, #tpu.memory_space<hbm>>
    tpu.wait_indirect_dma semaphore(%arg15 : memref<!tpu.dma_semaphore, #tpu.memory_space<semaphore_mem>>) src(%dma_wait3A_47 : memref<1015808x32xf32, #tpu.memory_space<hbm>>) dst(%arg9 : memref<1024x32xf32, #tpu.memory_space<vmem>>)
    %add3A_48 = arith.constant 1024 : i32
    %add3A_49 = arith.addi %mul3A_2, %add3A_48 : i32
    %dma_start3A_50 = arith.constant 0 : i32
    %dma_start3A_51 = tpu.memref_slice %arg4[%add3A_49, %dma_start3A_50] : memref<327680x32xf32, #tpu.memory_space<hbm>> -> memref<1024x32xf32, #tpu.memory_space<hbm>>
    %dma_start3A_52 = arith.constant 0 : i32
    %dma_start3A_53 = tpu.memref_slice %arg4[%add3A_49, %dma_start3A_52] : memref<327680x32xf32, #tpu.memory_space<hbm>> -> memref<1024x32xf32, #tpu.memory_space<hbm>>
    tpu.enqueue_dma source(%arg9 : memref<1024x32xf32, #tpu.memory_space<vmem>>) target(%dma_start3A_53 : memref<1024x32xf32, #tpu.memory_space<hbm>>) target_semaphore(%arg18 : memref<!tpu.dma_semaphore, #tpu.memory_space<semaphore_mem>>)
    %add3A_54 = arith.constant 4096 : i32
    %add3A_55 = arith.addi %mul3A_2, %add3A_54 : i32
    %dma_start3A_56 = tpu.memref_slice %arg2[%add3A_55] : memref<327680xi32, #tpu.memory_space<hbm>> -> memref<1024xi32, #tpu.memory_space<hbm>>
    %dma_start3A_57 = tpu.memref_slice %arg2[%add3A_55] : memref<327680xi32, #tpu.memory_space<hbm>> -> memref<1024xi32, #tpu.memory_space<hbm>>
    tpu.enqueue_dma source(%dma_start3A_57 : memref<1024xi32, #tpu.memory_space<hbm>>) target(%arg6 : memref<1024xi32, #tpu.memory_space<vmem>>) target_semaphore(%arg12 : memref<!tpu.dma_semaphore, #tpu.memory_space<semaphore_mem>>)
    %dma_wait3A_58 = tpu.memref_slice %arg2[%add3A_11] : memref<327680xi32, #tpu.memory_space<hbm>> -> memref<1024xi32, #tpu.memory_space<hbm>>
    %dma_wait3A_59 = tpu.memref_slice %arg2[%add3A_11] : memref<327680xi32, #tpu.memory_space<hbm>> -> memref<1024xi32, #tpu.memory_space<hbm>>
    tpu.wait_dma2 semaphore(%arg13 : memref<!tpu.dma_semaphore, #tpu.memory_space<semaphore_mem>>) src(%dma_wait3A_59 : memref<1024xi32, #tpu.memory_space<hbm>>) dst(%arg7 : memref<1024xi32, #tpu.memory_space<vmem>>)
    %scan3A_60 = arith.constant 0 : i32
    %scan3A_61 = arith.constant 64 : i32
    %scan3A_62 = arith.addi %scan3A_60, %scan3A_61 : i32
    %scan3A_63 = arith.constant 1 : i32
    scf.for %scan3A_270 = %scan3A_60 to %scan3A_62 step %scan3A_63  : i32 {
      %mul3A_271 = arith.constant 16 : i32
      %mul3A_272 = arith.muli %scan3A_270, %mul3A_271 : i32
      %get3A = arith.index_cast %mul3A_272 : i32 to index
      %get3A_273 = tpu.vector_load %arg7[%get3A] {strides = array<i32>} : memref<1024xi32, #tpu.memory_space<vmem>>, vector<16xi32>,
      %get3A_274 = vector.shape_cast %get3A_273 : vector<16xi32> to vector<16xi32>
      %shift_right_logical3A = arith.constant 13 : i32
      %shift_right_logical3A_275 = vector.broadcast %shift_right_logical3A : i32 to vector<16xi32>
      %shift_right_logical3A_276 = arith.shrui %get3A_274, %shift_right_logical3A_275 : vector<16xi32>
      %and3A = arith.constant 8191 : i32
      %and3A_277 = vector.broadcast %and3A : i32 to vector<16xi32>
      %and3A_278 = arith.andi %get3A_274, %and3A_277 : vector<16xi32>
      %shift_right_logical3A_279 = arith.constant 2 : i32
      %shift_right_logical3A_280 = vector.broadcast %shift_right_logical3A_279 : i32 to vector<16xi32>
      %shift_right_logical3A_281 = arith.shrui %shift_right_logical3A_276, %shift_right_logical3A_280 : vector<16xi32>
      %shift_left3A = arith.constant 15 : i32
      %shift_left3A_282 = vector.broadcast %shift_left3A : i32 to vector<16xi32>
      %shift_left3A_283 = arith.shli %shift_right_logical3A_281, %shift_left3A_282 : vector<16xi32>
      %shift_left3A_284 = arith.constant 2 : i32
      %shift_left3A_285 = vector.broadcast %shift_left3A_284 : i32 to vector<16xi32>
      %shift_left3A_286 = arith.shli %and3A_278, %shift_left3A_285 : vector<16xi32>
      %add3A_287 = arith.addi %shift_left3A_283, %shift_left3A_286 : vector<16xi32>
      %and3A_288 = arith.constant 3 : i32
      %and3A_289 = vector.broadcast %and3A_288 : i32 to vector<16xi32>
      %and3A_290 = arith.andi %shift_right_logical3A_276, %and3A_289 : vector<16xi32>
      %add3A_291 = arith.addi %add3A_287, %and3A_290 : vector<16xi32>
      %mul3A_292 = arith.constant 16 : i32
      %mul3A_293 = arith.muli %scan3A_270, %mul3A_292 : i32
      %swap3A = arith.index_cast %mul3A_293 : i32 to index
      %swap3A_294 = tpu.vector_load %arg7[%swap3A] {strides = array<i32>} : memref<1024xi32, #tpu.memory_space<vmem>>, vector<16xi32>,
      %swap3A_295 = vector.shape_cast %swap3A_294 : vector<16xi32> to vector<16xi32>
      %swap3A_296 = vector.shape_cast %add3A_291 : vector<16xi32> to vector<16xi32>
      tpu.vector_store %arg7[%swap3A], %swap3A_296 {strides = array<i32>} : memref<1024xi32, #tpu.memory_space<vmem>>, vector<16xi32>,
    }
    %scan3A_64 = arith.constant 64 : i32
    %dma_start3A_65 = arith.constant 0 : i32
    %dma_start3A_66 = arith.constant 0 : i32
    %dma_start3A_67 = tpu.memref_slice %arg3[%dma_start3A_65, %dma_start3A_66] : memref<1015808x32xf32, #tpu.memory_space<hbm>> -> memref<1015808x32xf32, #tpu.memory_space<hbm>>
    tpu.enqueue_indirect_dma source(%dma_start3A_67 : memref<1015808x32xf32, #tpu.memory_space<hbm>>) target(%arg10 : memref<1024x32xf32, #tpu.memory_space<vmem>>) offsets(%arg7 : memref<1024xi32, #tpu.memory_space<vmem>>) semaphore(%arg16 : memref<!tpu.dma_semaphore, #tpu.memory_space<semaphore_mem>>)
    %dma_wait3A_68 = arith.constant 0 : i32
    %dma_wait3A_69 = arith.constant 0 : i32
    %dma_wait3A_70 = tpu.memref_slice %arg3[%dma_wait3A_68, %dma_wait3A_69] : memref<1015808x32xf32, #tpu.memory_space<hbm>> -> memref<1015808x32xf32, #tpu.memory_space<hbm>>
    tpu.wait_indirect_dma semaphore(%arg16 : memref<!tpu.dma_semaphore, #tpu.memory_space<semaphore_mem>>) src(%dma_wait3A_70 : memref<1015808x32xf32, #tpu.memory_space<hbm>>) dst(%arg10 : memref<1024x32xf32, #tpu.memory_space<vmem>>)
    %add3A_71 = arith.constant 2048 : i32
    %add3A_72 = arith.addi %mul3A_2, %add3A_71 : i32
    %dma_start3A_73 = arith.constant 0 : i32
    %dma_start3A_74 = tpu.memref_slice %arg4[%add3A_72, %dma_start3A_73] : memref<327680x32xf32, #tpu.memory_space<hbm>> -> memref<1024x32xf32, #tpu.memory_space<hbm>>
    %dma_start3A_75 = arith.constant 0 : i32
    %dma_start3A_76 = tpu.memref_slice %arg4[%add3A_72, %dma_start3A_75] : memref<327680x32xf32, #tpu.memory_space<hbm>> -> memref<1024x32xf32, #tpu.memory_space<hbm>>
    tpu.enqueue_dma source(%arg10 : memref<1024x32xf32, #tpu.memory_space<vmem>>) target(%dma_start3A_76 : memref<1024x32xf32, #tpu.memory_space<hbm>>) target_semaphore(%arg19 : memref<!tpu.dma_semaphore, #tpu.memory_space<semaphore_mem>>)
    %add3A_77 = arith.constant 5120 : i32
    %add3A_78 = arith.addi %mul3A_2, %add3A_77 : i32
    %dma_start3A_79 = tpu.memref_slice %arg2[%add3A_78] : memref<327680xi32, #tpu.memory_space<hbm>> -> memref<1024xi32, #tpu.memory_space<hbm>>
    %dma_start3A_80 = tpu.memref_slice %arg2[%add3A_78] : memref<327680xi32, #tpu.memory_space<hbm>> -> memref<1024xi32, #tpu.memory_space<hbm>>
    tpu.enqueue_dma source(%dma_start3A_80 : memref<1024xi32, #tpu.memory_space<hbm>>) target(%arg7 : memref<1024xi32, #tpu.memory_space<vmem>>) target_semaphore(%arg13 : memref<!tpu.dma_semaphore, #tpu.memory_space<semaphore_mem>>)
    %dma_wait3A_81 = tpu.memref_slice %arg2[%add3A_32] : memref<327680xi32, #tpu.memory_space<hbm>> -> memref<1024xi32, #tpu.memory_space<hbm>>
    %dma_wait3A_82 = tpu.memref_slice %arg2[%add3A_32] : memref<327680xi32, #tpu.memory_space<hbm>> -> memref<1024xi32, #tpu.memory_space<hbm>>
    tpu.wait_dma2 semaphore(%arg11 : memref<!tpu.dma_semaphore, #tpu.memory_space<semaphore_mem>>) src(%dma_wait3A_82 : memref<1024xi32, #tpu.memory_space<hbm>>) dst(%arg5 : memref<1024xi32, #tpu.memory_space<vmem>>)
    %scan3A_83 = arith.constant 0 : i32
    %scan3A_84 = arith.constant 64 : i32
    %scan3A_85 = arith.addi %scan3A_83, %scan3A_84 : i32
    %scan3A_86 = arith.constant 1 : i32
    scf.for %scan3A_270 = %scan3A_83 to %scan3A_85 step %scan3A_86  : i32 {
      %mul3A_271 = arith.constant 16 : i32
      %mul3A_272 = arith.muli %scan3A_270, %mul3A_271 : i32
      %get3A = arith.index_cast %mul3A_272 : i32 to index
      %get3A_273 = tpu.vector_load %arg5[%get3A] {strides = array<i32>} : memref<1024xi32, #tpu.memory_space<vmem>>, vector<16xi32>,
      %get3A_274 = vector.shape_cast %get3A_273 : vector<16xi32> to vector<16xi32>
      %shift_right_logical3A = arith.constant 13 : i32
      %shift_right_logical3A_275 = vector.broadcast %shift_right_logical3A : i32 to vector<16xi32>
      %shift_right_logical3A_276 = arith.shrui %get3A_274, %shift_right_logical3A_275 : vector<16xi32>
      %and3A = arith.constant 8191 : i32
      %and3A_277 = vector.broadcast %and3A : i32 to vector<16xi32>
      %and3A_278 = arith.andi %get3A_274, %and3A_277 : vector<16xi32>
      %shift_right_logical3A_279 = arith.constant 2 : i32
      %shift_right_logical3A_280 = vector.broadcast %shift_right_logical3A_279 : i32 to vector<16xi32>
      %shift_right_logical3A_281 = arith.shrui %shift_right_logical3A_276, %shift_right_logical3A_280 : vector<16xi32>
      %shift_left3A = arith.constant 15 : i32
      %shift_left3A_282 = vector.broadcast %shift_left3A : i32 to vector<16xi32>
      %shift_left3A_283 = arith.shli %shift_right_logical3A_281, %shift_left3A_282 : vector<16xi32>
      %shift_left3A_284 = arith.constant 2 : i32
      %shift_left3A_285 = vector.broadcast %shift_left3A_284 : i32 to vector<16xi32>
      %shift_left3A_286 = arith.shli %and3A_278, %shift_left3A_285 : vector<16xi32>
      %add3A_287 = arith.addi %shift_left3A_283, %shift_left3A_286 : vector<16xi32>
      %and3A_288 = arith.constant 3 : i32
      %and3A_289 = vector.broadcast %and3A_288 : i32 to vector<16xi32>
      %and3A_290 = arith.andi %shift_right_logical3A_276, %and3A_289 : vector<16xi32>
      %add3A_291 = arith.addi %add3A_287, %and3A_290 : vector<16xi32>
      %mul3A_292 = arith.constant 16 : i32
      %mul3A_293 = arith.muli %scan3A_270, %mul3A_292 : i32
      %swap3A = arith.index_cast %mul3A_293 : i32 to index
      %swap3A_294 = tpu.vector_load %arg5[%swap3A] {strides = array<i32>} : memref<1024xi32, #tpu.memory_space<vmem>>, vector<16xi32>,
      %swap3A_295 = vector.shape_cast %swap3A_294 : vector<16xi32> to vector<16xi32>
      %swap3A_296 = vector.shape_cast %add3A_291 : vector<16xi32> to vector<16xi32>
      tpu.vector_store %arg5[%swap3A], %swap3A_296 {strides = array<i32>} : memref<1024xi32, #tpu.memory_space<vmem>>, vector<16xi32>,
    }
    %scan3A_87 = arith.constant 64 : i32
    %dma_wait3A_88 = arith.constant 0 : i32
    %dma_wait3A_89 = tpu.memref_slice %arg4[%add3A_26, %dma_wait3A_88] : memref<327680x32xf32, #tpu.memory_space<hbm>> -> memref<1024x32xf32, #tpu.memory_space<hbm>>
    %dma_wait3A_90 = arith.constant 0 : i32
    %dma_wait3A_91 = tpu.memref_slice %arg4[%add3A_26, %dma_wait3A_90] : memref<327680x32xf32, #tpu.memory_space<hbm>> -> memref<1024x32xf32, #tpu.memory_space<hbm>>
    tpu.wait_dma2 semaphore(%arg17 : memref<!tpu.dma_semaphore, #tpu.memory_space<semaphore_mem>>) src(%arg8 : memref<1024x32xf32, #tpu.memory_space<vmem>>) dst(%dma_wait3A_91 : memref<1024x32xf32, #tpu.memory_space<hbm>>)
    %dma_start3A_92 = arith.constant 0 : i32
    %dma_start3A_93 = arith.constant 0 : i32
    %dma_start3A_94 = tpu.memref_slice %arg3[%dma_start3A_92, %dma_start3A_93] : memref<1015808x32xf32, #tpu.memory_space<hbm>> -> memref<1015808x32xf32, #tpu.memory_space<hbm>>
    tpu.enqueue_indirect_dma source(%dma_start3A_94 : memref<1015808x32xf32, #tpu.memory_space<hbm>>) target(%arg8 : memref<1024x32xf32, #tpu.memory_space<vmem>>) offsets(%arg5 : memref<1024xi32, #tpu.memory_space<vmem>>) semaphore(%arg14 : memref<!tpu.dma_semaphore, #tpu.memory_space<semaphore_mem>>)
    %dma_wait3A_95 = arith.constant 0 : i32
    %dma_wait3A_96 = arith.constant 0 : i32
    %dma_wait3A_97 = tpu.memref_slice %arg3[%dma_wait3A_95, %dma_wait3A_96] : memref<1015808x32xf32, #tpu.memory_space<hbm>> -> memref<1015808x32xf32, #tpu.memory_space<hbm>>
    tpu.wait_indirect_dma semaphore(%arg14 : memref<!tpu.dma_semaphore, #tpu.memory_space<semaphore_mem>>) src(%dma_wait3A_97 : memref<1015808x32xf32, #tpu.memory_space<hbm>>) dst(%arg8 : memref<1024x32xf32, #tpu.memory_space<vmem>>)
    %add3A_98 = arith.constant 3072 : i32
    %add3A_99 = arith.addi %mul3A_2, %add3A_98 : i32
    %dma_start3A_100 = arith.constant 0 : i32
    %dma_start3A_101 = tpu.memref_slice %arg4[%add3A_99, %dma_start3A_100] : memref<327680x32xf32, #tpu.memory_space<hbm>> -> memref<1024x32xf32, #tpu.memory_space<hbm>>
    %dma_start3A_102 = arith.constant 0 : i32
    %dma_start3A_103 = tpu.memref_slice %arg4[%add3A_99, %dma_start3A_102] : memref<327680x32xf32, #tpu.memory_space<hbm>> -> memref<1024x32xf32, #tpu.memory_space<hbm>>
    tpu.enqueue_dma source(%arg8 : memref<1024x32xf32, #tpu.memory_space<vmem>>) target(%dma_start3A_103 : memref<1024x32xf32, #tpu.memory_space<hbm>>) target_semaphore(%arg17 : memref<!tpu.dma_semaphore, #tpu.memory_space<semaphore_mem>>)
    %add3A_104 = arith.constant 6144 : i32
    %add3A_105 = arith.addi %mul3A_2, %add3A_104 : i32
    %dma_start3A_106 = tpu.memref_slice %arg2[%add3A_105] : memref<327680xi32, #tpu.memory_space<hbm>> -> memref<1024xi32, #tpu.memory_space<hbm>>
    %dma_start3A_107 = tpu.memref_slice %arg2[%add3A_105] : memref<327680xi32, #tpu.memory_space<hbm>> -> memref<1024xi32, #tpu.memory_space<hbm>>
    tpu.enqueue_dma source(%dma_start3A_107 : memref<1024xi32, #tpu.memory_space<hbm>>) target(%arg5 : memref<1024xi32, #tpu.memory_space<vmem>>) target_semaphore(%arg11 : memref<!tpu.dma_semaphore, #tpu.memory_space<semaphore_mem>>)
    %dma_wait3A_108 = tpu.memref_slice %arg2[%add3A_55] : memref<327680xi32, #tpu.memory_space<hbm>> -> memref<1024xi32, #tpu.memory_space<hbm>>
    %dma_wait3A_109 = tpu.memref_slice %arg2[%add3A_55] : memref<327680xi32, #tpu.memory_space<hbm>> -> memref<1024xi32, #tpu.memory_space<hbm>>
    tpu.wait_dma2 semaphore(%arg12 : memref<!tpu.dma_semaphore, #tpu.memory_space<semaphore_mem>>) src(%dma_wait3A_109 : memref<1024xi32, #tpu.memory_space<hbm>>) dst(%arg6 : memref<1024xi32, #tpu.memory_space<vmem>>)
    %scan3A_110 = arith.constant 0 : i32
    %scan3A_111 = arith.constant 64 : i32
    %scan3A_112 = arith.addi %scan3A_110, %scan3A_111 : i32
    %scan3A_113 = arith.constant 1 : i32
    scf.for %scan3A_270 = %scan3A_110 to %scan3A_112 step %scan3A_113  : i32 {
      %mul3A_271 = arith.constant 16 : i32
      %mul3A_272 = arith.muli %scan3A_270, %mul3A_271 : i32
      %get3A = arith.index_cast %mul3A_272 : i32 to index
      %get3A_273 = tpu.vector_load %arg6[%get3A] {strides = array<i32>} : memref<1024xi32, #tpu.memory_space<vmem>>, vector<16xi32>,
      %get3A_274 = vector.shape_cast %get3A_273 : vector<16xi32> to vector<16xi32>
      %shift_right_logical3A = arith.constant 13 : i32
      %shift_right_logical3A_275 = vector.broadcast %shift_right_logical3A : i32 to vector<16xi32>
      %shift_right_logical3A_276 = arith.shrui %get3A_274, %shift_right_logical3A_275 : vector<16xi32>
      %and3A = arith.constant 8191 : i32
      %and3A_277 = vector.broadcast %and3A : i32 to vector<16xi32>
      %and3A_278 = arith.andi %get3A_274, %and3A_277 : vector<16xi32>
      %shift_right_logical3A_279 = arith.constant 2 : i32
      %shift_right_logical3A_280 = vector.broadcast %shift_right_logical3A_279 : i32 to vector<16xi32>
      %shift_right_logical3A_281 = arith.shrui %shift_right_logical3A_276, %shift_right_logical3A_280 : vector<16xi32>
      %shift_left3A = arith.constant 15 : i32
      %shift_left3A_282 = vector.broadcast %shift_left3A : i32 to vector<16xi32>
      %shift_left3A_283 = arith.shli %shift_right_logical3A_281, %shift_left3A_282 : vector<16xi32>
      %shift_left3A_284 = arith.constant 2 : i32
      %shift_left3A_285 = vector.broadcast %shift_left3A_284 : i32 to vector<16xi32>
      %shift_left3A_286 = arith.shli %and3A_278, %shift_left3A_285 : vector<16xi32>
      %add3A_287 = arith.addi %shift_left3A_283, %shift_left3A_286 : vector<16xi32>
      %and3A_288 = arith.constant 3 : i32
      %and3A_289 = vector.broadcast %and3A_288 : i32 to vector<16xi32>
      %and3A_290 = arith.andi %shift_right_logical3A_276, %and3A_289 : vector<16xi32>
      %add3A_291 = arith.addi %add3A_287, %and3A_290 : vector<16xi32>
      %mul3A_292 = arith.constant 16 : i32
      %mul3A_293 = arith.muli %scan3A_270, %mul3A_292 : i32
      %swap3A = arith.index_cast %mul3A_293 : i32 to index
      %swap3A_294 = tpu.vector_load %arg6[%swap3A] {strides = array<i32>} : memref<1024xi32, #tpu.memory_space<vmem>>, vector<16xi32>,
      %swap3A_295 = vector.shape_cast %swap3A_294 : vector<16xi32> to vector<16xi32>
      %swap3A_296 = vector.shape_cast %add3A_291 : vector<16xi32> to vector<16xi32>
      tpu.vector_store %arg6[%swap3A], %swap3A_296 {strides = array<i32>} : memref<1024xi32, #tpu.memory_space<vmem>>, vector<16xi32>,
    }
    %scan3A_114 = arith.constant 64 : i32
    %dma_wait3A_115 = arith.constant 0 : i32
    %dma_wait3A_116 = tpu.memref_slice %arg4[%add3A_49, %dma_wait3A_115] : memref<327680x32xf32, #tpu.memory_space<hbm>> -> memref<1024x32xf32, #tpu.memory_space<hbm>>
    %dma_wait3A_117 = arith.constant 0 : i32
    %dma_wait3A_118 = tpu.memref_slice %arg4[%add3A_49, %dma_wait3A_117] : memref<327680x32xf32, #tpu.memory_space<hbm>> -> memref<1024x32xf32, #tpu.memory_space<hbm>>
    tpu.wait_dma2 semaphore(%arg18 : memref<!tpu.dma_semaphore, #tpu.memory_space<semaphore_mem>>) src(%arg9 : memref<1024x32xf32, #tpu.memory_space<vmem>>) dst(%dma_wait3A_118 : memref<1024x32xf32, #tpu.memory_space<hbm>>)
    %dma_start3A_119 = arith.constant 0 : i32
    %dma_start3A_120 = arith.constant 0 : i32
    %dma_start3A_121 = tpu.memref_slice %arg3[%dma_start3A_119, %dma_start3A_120] : memref<1015808x32xf32, #tpu.memory_space<hbm>> -> memref<1015808x32xf32, #tpu.memory_space<hbm>>
    tpu.enqueue_indirect_dma source(%dma_start3A_121 : memref<1015808x32xf32, #tpu.memory_space<hbm>>) target(%arg9 : memref<1024x32xf32, #tpu.memory_space<vmem>>) offsets(%arg6 : memref<1024xi32, #tpu.memory_space<vmem>>) semaphore(%arg15 : memref<!tpu.dma_semaphore, #tpu.memory_space<semaphore_mem>>)
    %dma_wait3A_122 = arith.constant 0 : i32
    %dma_wait3A_123 = arith.constant 0 : i32
    %dma_wait3A_124 = tpu.memref_slice %arg3[%dma_wait3A_122, %dma_wait3A_123] : memref<1015808x32xf32, #tpu.memory_space<hbm>> -> memref<1015808x32xf32, #tpu.memory_space<hbm>>
    tpu.wait_indirect_dma semaphore(%arg15 : memref<!tpu.dma_semaphore, #tpu.memory_space<semaphore_mem>>) src(%dma_wait3A_124 : memref<1015808x32xf32, #tpu.memory_space<hbm>>) dst(%arg9 : memref<1024x32xf32, #tpu.memory_space<vmem>>)
    %add3A_125 = arith.constant 4096 : i32
    %add3A_126 = arith.addi %mul3A_2, %add3A_125 : i32
    %dma_start3A_127 = arith.constant 0 : i32
    %dma_start3A_128 = tpu.memref_slice %arg4[%add3A_126, %dma_start3A_127] : memref<327680x32xf32, #tpu.memory_space<hbm>> -> memref<1024x32xf32, #tpu.memory_space<hbm>>
    %dma_start3A_129 = arith.constant 0 : i32
    %dma_start3A_130 = tpu.memref_slice %arg4[%add3A_126, %dma_start3A_129] : memref<327680x32xf32, #tpu.memory_space<hbm>> -> memref<1024x32xf32, #tpu.memory_space<hbm>>
    tpu.enqueue_dma source(%arg9 : memref<1024x32xf32, #tpu.memory_space<vmem>>) target(%dma_start3A_130 : memref<1024x32xf32, #tpu.memory_space<hbm>>) target_semaphore(%arg18 : memref<!tpu.dma_semaphore, #tpu.memory_space<semaphore_mem>>)
    %add3A_131 = arith.constant 7168 : i32
    %add3A_132 = arith.addi %mul3A_2, %add3A_131 : i32
    %dma_start3A_133 = tpu.memref_slice %arg2[%add3A_132] : memref<327680xi32, #tpu.memory_space<hbm>> -> memref<1024xi32, #tpu.memory_space<hbm>>
    %dma_start3A_134 = tpu.memref_slice %arg2[%add3A_132] : memref<327680xi32, #tpu.memory_space<hbm>> -> memref<1024xi32, #tpu.memory_space<hbm>>
    tpu.enqueue_dma source(%dma_start3A_134 : memref<1024xi32, #tpu.memory_space<hbm>>) target(%arg6 : memref<1024xi32, #tpu.memory_space<vmem>>) target_semaphore(%arg12 : memref<!tpu.dma_semaphore, #tpu.memory_space<semaphore_mem>>)
    %dma_wait3A_135 = tpu.memref_slice %arg2[%add3A_78] : memref<327680xi32, #tpu.memory_space<hbm>> -> memref<1024xi32, #tpu.memory_space<hbm>>
    %dma_wait3A_136 = tpu.memref_slice %arg2[%add3A_78] : memref<327680xi32, #tpu.memory_space<hbm>> -> memref<1024xi32, #tpu.memory_space<hbm>>
    tpu.wait_dma2 semaphore(%arg13 : memref<!tpu.dma_semaphore, #tpu.memory_space<semaphore_mem>>) src(%dma_wait3A_136 : memref<1024xi32, #tpu.memory_space<hbm>>) dst(%arg7 : memref<1024xi32, #tpu.memory_space<vmem>>)
    %scan3A_137 = arith.constant 0 : i32
    %scan3A_138 = arith.constant 64 : i32
    %scan3A_139 = arith.addi %scan3A_137, %scan3A_138 : i32
    %scan3A_140 = arith.constant 1 : i32
    scf.for %scan3A_270 = %scan3A_137 to %scan3A_139 step %scan3A_140  : i32 {
      %mul3A_271 = arith.constant 16 : i32
      %mul3A_272 = arith.muli %scan3A_270, %mul3A_271 : i32
      %get3A = arith.index_cast %mul3A_272 : i32 to index
      %get3A_273 = tpu.vector_load %arg7[%get3A] {strides = array<i32>} : memref<1024xi32, #tpu.memory_space<vmem>>, vector<16xi32>,
      %get3A_274 = vector.shape_cast %get3A_273 : vector<16xi32> to vector<16xi32>
      %shift_right_logical3A = arith.constant 13 : i32
      %shift_right_logical3A_275 = vector.broadcast %shift_right_logical3A : i32 to vector<16xi32>
      %shift_right_logical3A_276 = arith.shrui %get3A_274, %shift_right_logical3A_275 : vector<16xi32>
      %and3A = arith.constant 8191 : i32
      %and3A_277 = vector.broadcast %and3A : i32 to vector<16xi32>
      %and3A_278 = arith.andi %get3A_274, %and3A_277 : vector<16xi32>
      %shift_right_logical3A_279 = arith.constant 2 : i32
      %shift_right_logical3A_280 = vector.broadcast %shift_right_logical3A_279 : i32 to vector<16xi32>
      %shift_right_logical3A_281 = arith.shrui %shift_right_logical3A_276, %shift_right_logical3A_280 : vector<16xi32>
      %shift_left3A = arith.constant 15 : i32
      %shift_left3A_282 = vector.broadcast %shift_left3A : i32 to vector<16xi32>
      %shift_left3A_283 = arith.shli %shift_right_logical3A_281, %shift_left3A_282 : vector<16xi32>
      %shift_left3A_284 = arith.constant 2 : i32
      %shift_left3A_285 = vector.broadcast %shift_left3A_284 : i32 to vector<16xi32>
      %shift_left3A_286 = arith.shli %and3A_278, %shift_left3A_285 : vector<16xi32>
      %add3A_287 = arith.addi %shift_left3A_283, %shift_left3A_286 : vector<16xi32>
      %and3A_288 = arith.constant 3 : i32
      %and3A_289 = vector.broadcast %and3A_288 : i32 to vector<16xi32>
      %and3A_290 = arith.andi %shift_right_logical3A_276, %and3A_289 : vector<16xi32>
      %add3A_291 = arith.addi %add3A_287, %and3A_290 : vector<16xi32>
      %mul3A_292 = arith.constant 16 : i32
      %mul3A_293 = arith.muli %scan3A_270, %mul3A_292 : i32
      %swap3A = arith.index_cast %mul3A_293 : i32 to index
      %swap3A_294 = tpu.vector_load %arg7[%swap3A] {strides = array<i32>} : memref<1024xi32, #tpu.memory_space<vmem>>, vector<16xi32>,
      %swap3A_295 = vector.shape_cast %swap3A_294 : vector<16xi32> to vector<16xi32>
      %swap3A_296 = vector.shape_cast %add3A_291 : vector<16xi32> to vector<16xi32>
      tpu.vector_store %arg7[%swap3A], %swap3A_296 {strides = array<i32>} : memref<1024xi32, #tpu.memory_space<vmem>>, vector<16xi32>,
    }
    %scan3A_141 = arith.constant 64 : i32
    %dma_wait3A_142 = arith.constant 0 : i32
    %dma_wait3A_143 = tpu.memref_slice %arg4[%add3A_72, %dma_wait3A_142] : memref<327680x32xf32, #tpu.memory_space<hbm>> -> memref<1024x32xf32, #tpu.memory_space<hbm>>
    %dma_wait3A_144 = arith.constant 0 : i32
    %dma_wait3A_145 = tpu.memref_slice %arg4[%add3A_72, %dma_wait3A_144] : memref<327680x32xf32, #tpu.memory_space<hbm>> -> memref<1024x32xf32, #tpu.memory_space<hbm>>
    tpu.wait_dma2 semaphore(%arg19 : memref<!tpu.dma_semaphore, #tpu.memory_space<semaphore_mem>>) src(%arg10 : memref<1024x32xf32, #tpu.memory_space<vmem>>) dst(%dma_wait3A_145 : memref<1024x32xf32, #tpu.memory_space<hbm>>)
    %dma_start3A_146 = arith.constant 0 : i32
    %dma_start3A_147 = arith.constant 0 : i32
    %dma_start3A_148 = tpu.memref_slice %arg3[%dma_start3A_146, %dma_start3A_147] : memref<1015808x32xf32, #tpu.memory_space<hbm>> -> memref<1015808x32xf32, #tpu.memory_space<hbm>>
    tpu.enqueue_indirect_dma source(%dma_start3A_148 : memref<1015808x32xf32, #tpu.memory_space<hbm>>) target(%arg10 : memref<1024x32xf32, #tpu.memory_space<vmem>>) offsets(%arg7 : memref<1024xi32, #tpu.memory_space<vmem>>) semaphore(%arg16 : memref<!tpu.dma_semaphore, #tpu.memory_space<semaphore_mem>>)
    %dma_wait3A_149 = arith.constant 0 : i32
    %dma_wait3A_150 = arith.constant 0 : i32
    %dma_wait3A_151 = tpu.memref_slice %arg3[%dma_wait3A_149, %dma_wait3A_150] : memref<1015808x32xf32, #tpu.memory_space<hbm>> -> memref<1015808x32xf32, #tpu.memory_space<hbm>>
    tpu.wait_indirect_dma semaphore(%arg16 : memref<!tpu.dma_semaphore, #tpu.memory_space<semaphore_mem>>) src(%dma_wait3A_151 : memref<1015808x32xf32, #tpu.memory_space<hbm>>) dst(%arg10 : memref<1024x32xf32, #tpu.memory_space<vmem>>)
    %add3A_152 = arith.constant 5120 : i32
    %add3A_153 = arith.addi %mul3A_2, %add3A_152 : i32
    %dma_start3A_154 = arith.constant 0 : i32
    %dma_start3A_155 = tpu.memref_slice %arg4[%add3A_153, %dma_start3A_154] : memref<327680x32xf32, #tpu.memory_space<hbm>> -> memref<1024x32xf32, #tpu.memory_space<hbm>>
    %dma_start3A_156 = arith.constant 0 : i32
    %dma_start3A_157 = tpu.memref_slice %arg4[%add3A_153, %dma_start3A_156] : memref<327680x32xf32, #tpu.memory_space<hbm>> -> memref<1024x32xf32, #tpu.memory_space<hbm>>
    tpu.enqueue_dma source(%arg10 : memref<1024x32xf32, #tpu.memory_space<vmem>>) target(%dma_start3A_157 : memref<1024x32xf32, #tpu.memory_space<hbm>>) target_semaphore(%arg19 : memref<!tpu.dma_semaphore, #tpu.memory_space<semaphore_mem>>)
    %add3A_158 = arith.constant 8192 : i32
    %add3A_159 = arith.addi %mul3A_2, %add3A_158 : i32
    %dma_start3A_160 = tpu.memref_slice %arg2[%add3A_159] : memref<327680xi32, #tpu.memory_space<hbm>> -> memref<1024xi32, #tpu.memory_space<hbm>>
    %dma_start3A_161 = tpu.memref_slice %arg2[%add3A_159] : memref<327680xi32, #tpu.memory_space<hbm>> -> memref<1024xi32, #tpu.memory_space<hbm>>
    tpu.enqueue_dma source(%dma_start3A_161 : memref<1024xi32, #tpu.memory_space<hbm>>) target(%arg7 : memref<1024xi32, #tpu.memory_space<vmem>>) target_semaphore(%arg13 : memref<!tpu.dma_semaphore, #tpu.memory_space<semaphore_mem>>)
    %dma_wait3A_162 = tpu.memref_slice %arg2[%add3A_105] : memref<327680xi32, #tpu.memory_space<hbm>> -> memref<1024xi32, #tpu.memory_space<hbm>>
    %dma_wait3A_163 = tpu.memref_slice %arg2[%add3A_105] : memref<327680xi32, #tpu.memory_space<hbm>> -> memref<1024xi32, #tpu.memory_space<hbm>>
    tpu.wait_dma2 semaphore(%arg11 : memref<!tpu.dma_semaphore, #tpu.memory_space<semaphore_mem>>) src(%dma_wait3A_163 : memref<1024xi32, #tpu.memory_space<hbm>>) dst(%arg5 : memref<1024xi32, #tpu.memory_space<vmem>>)
    %scan3A_164 = arith.constant 0 : i32
    %scan3A_165 = arith.constant 64 : i32
    %scan3A_166 = arith.addi %scan3A_164, %scan3A_165 : i32
    %scan3A_167 = arith.constant 1 : i32
    scf.for %scan3A_270 = %scan3A_164 to %scan3A_166 step %scan3A_167  : i32 {
      %mul3A_271 = arith.constant 16 : i32
      %mul3A_272 = arith.muli %scan3A_270, %mul3A_271 : i32
      %get3A = arith.index_cast %mul3A_272 : i32 to index
      %get3A_273 = tpu.vector_load %arg5[%get3A] {strides = array<i32>} : memref<1024xi32, #tpu.memory_space<vmem>>, vector<16xi32>,
      %get3A_274 = vector.shape_cast %get3A_273 : vector<16xi32> to vector<16xi32>
      %shift_right_logical3A = arith.constant 13 : i32
      %shift_right_logical3A_275 = vector.broadcast %shift_right_logical3A : i32 to vector<16xi32>
      %shift_right_logical3A_276 = arith.shrui %get3A_274, %shift_right_logical3A_275 : vector<16xi32>
      %and3A = arith.constant 8191 : i32
      %and3A_277 = vector.broadcast %and3A : i32 to vector<16xi32>
      %and3A_278 = arith.andi %get3A_274, %and3A_277 : vector<16xi32>
      %shift_right_logical3A_279 = arith.constant 2 : i32
      %shift_right_logical3A_280 = vector.broadcast %shift_right_logical3A_279 : i32 to vector<16xi32>
      %shift_right_logical3A_281 = arith.shrui %shift_right_logical3A_276, %shift_right_logical3A_280 : vector<16xi32>
      %shift_left3A = arith.constant 15 : i32
      %shift_left3A_282 = vector.broadcast %shift_left3A : i32 to vector<16xi32>
      %shift_left3A_283 = arith.shli %shift_right_logical3A_281, %shift_left3A_282 : vector<16xi32>
      %shift_left3A_284 = arith.constant 2 : i32
      %shift_left3A_285 = vector.broadcast %shift_left3A_284 : i32 to vector<16xi32>
      %shift_left3A_286 = arith.shli %and3A_278, %shift_left3A_285 : vector<16xi32>
      %add3A_287 = arith.addi %shift_left3A_283, %shift_left3A_286 : vector<16xi32>
      %and3A_288 = arith.constant 3 : i32
      %and3A_289 = vector.broadcast %and3A_288 : i32 to vector<16xi32>
      %and3A_290 = arith.andi %shift_right_logical3A_276, %and3A_289 : vector<16xi32>
      %add3A_291 = arith.addi %add3A_287, %and3A_290 : vector<16xi32>
      %mul3A_292 = arith.constant 16 : i32
      %mul3A_293 = arith.muli %scan3A_270, %mul3A_292 : i32
      %swap3A = arith.index_cast %mul3A_293 : i32 to index
      %swap3A_294 = tpu.vector_load %arg5[%swap3A] {strides = array<i32>} : memref<1024xi32, #tpu.memory_space<vmem>>, vector<16xi32>,
      %swap3A_295 = vector.shape_cast %swap3A_294 : vector<16xi32> to vector<16xi32>
      %swap3A_296 = vector.shape_cast %add3A_291 : vector<16xi32> to vector<16xi32>
      tpu.vector_store %arg5[%swap3A], %swap3A_296 {strides = array<i32>} : memref<1024xi32, #tpu.memory_space<vmem>>, vector<16xi32>,
    }
    %scan3A_168 = arith.constant 64 : i32
    %dma_wait3A_169 = arith.constant 0 : i32
    %dma_wait3A_170 = tpu.memref_slice %arg4[%add3A_99, %dma_wait3A_169] : memref<327680x32xf32, #tpu.memory_space<hbm>> -> memref<1024x32xf32, #tpu.memory_space<hbm>>
    %dma_wait3A_171 = arith.constant 0 : i32
    %dma_wait3A_172 = tpu.memref_slice %arg4[%add3A_99, %dma_wait3A_171] : memref<327680x32xf32, #tpu.memory_space<hbm>> -> memref<1024x32xf32, #tpu.memory_space<hbm>>
    tpu.wait_dma2 semaphore(%arg17 : memref<!tpu.dma_semaphore, #tpu.memory_space<semaphore_mem>>) src(%arg8 : memref<1024x32xf32, #tpu.memory_space<vmem>>) dst(%dma_wait3A_172 : memref<1024x32xf32, #tpu.memory_space<hbm>>)
    %dma_start3A_173 = arith.constant 0 : i32
    %dma_start3A_174 = arith.constant 0 : i32
    %dma_start3A_175 = tpu.memref_slice %arg3[%dma_start3A_173, %dma_start3A_174] : memref<1015808x32xf32, #tpu.memory_space<hbm>> -> memref<1015808x32xf32, #tpu.memory_space<hbm>>
    tpu.enqueue_indirect_dma source(%dma_start3A_175 : memref<1015808x32xf32, #tpu.memory_space<hbm>>) target(%arg8 : memref<1024x32xf32, #tpu.memory_space<vmem>>) offsets(%arg5 : memref<1024xi32, #tpu.memory_space<vmem>>) semaphore(%arg14 : memref<!tpu.dma_semaphore, #tpu.memory_space<semaphore_mem>>)
    %dma_wait3A_176 = arith.constant 0 : i32
    %dma_wait3A_177 = arith.constant 0 : i32
    %dma_wait3A_178 = tpu.memref_slice %arg3[%dma_wait3A_176, %dma_wait3A_177] : memref<1015808x32xf32, #tpu.memory_space<hbm>> -> memref<1015808x32xf32, #tpu.memory_space<hbm>>
    tpu.wait_indirect_dma semaphore(%arg14 : memref<!tpu.dma_semaphore, #tpu.memory_space<semaphore_mem>>) src(%dma_wait3A_178 : memref<1015808x32xf32, #tpu.memory_space<hbm>>) dst(%arg8 : memref<1024x32xf32, #tpu.memory_space<vmem>>)
    %add3A_179 = arith.constant 6144 : i32
    %add3A_180 = arith.addi %mul3A_2, %add3A_179 : i32
    %dma_start3A_181 = arith.constant 0 : i32
    %dma_start3A_182 = tpu.memref_slice %arg4[%add3A_180, %dma_start3A_181] : memref<327680x32xf32, #tpu.memory_space<hbm>> -> memref<1024x32xf32, #tpu.memory_space<hbm>>
    %dma_start3A_183 = arith.constant 0 : i32
    %dma_start3A_184 = tpu.memref_slice %arg4[%add3A_180, %dma_start3A_183] : memref<327680x32xf32, #tpu.memory_space<hbm>> -> memref<1024x32xf32, #tpu.memory_space<hbm>>
    tpu.enqueue_dma source(%arg8 : memref<1024x32xf32, #tpu.memory_space<vmem>>) target(%dma_start3A_184 : memref<1024x32xf32, #tpu.memory_space<hbm>>) target_semaphore(%arg17 : memref<!tpu.dma_semaphore, #tpu.memory_space<semaphore_mem>>)
    %add3A_185 = arith.constant 9216 : i32
    %add3A_186 = arith.addi %mul3A_2, %add3A_185 : i32
    %dma_start3A_187 = tpu.memref_slice %arg2[%add3A_186] : memref<327680xi32, #tpu.memory_space<hbm>> -> memref<1024xi32, #tpu.memory_space<hbm>>
    %dma_start3A_188 = tpu.memref_slice %arg2[%add3A_186] : memref<327680xi32, #tpu.memory_space<hbm>> -> memref<1024xi32, #tpu.memory_space<hbm>>
    tpu.enqueue_dma source(%dma_start3A_188 : memref<1024xi32, #tpu.memory_space<hbm>>) target(%arg5 : memref<1024xi32, #tpu.memory_space<vmem>>) target_semaphore(%arg11 : memref<!tpu.dma_semaphore, #tpu.memory_space<semaphore_mem>>)
    %dma_wait3A_189 = tpu.memref_slice %arg2[%add3A_132] : memref<327680xi32, #tpu.memory_space<hbm>> -> memref<1024xi32, #tpu.memory_space<hbm>>
    %dma_wait3A_190 = tpu.memref_slice %arg2[%add3A_132] : memref<327680xi32, #tpu.memory_space<hbm>> -> memref<1024xi32, #tpu.memory_space<hbm>>
    tpu.wait_dma2 semaphore(%arg12 : memref<!tpu.dma_semaphore, #tpu.memory_space<semaphore_mem>>) src(%dma_wait3A_190 : memref<1024xi32, #tpu.memory_space<hbm>>) dst(%arg6 : memref<1024xi32, #tpu.memory_space<vmem>>)
    %scan3A_191 = arith.constant 0 : i32
    %scan3A_192 = arith.constant 64 : i32
    %scan3A_193 = arith.addi %scan3A_191, %scan3A_192 : i32
    %scan3A_194 = arith.constant 1 : i32
    scf.for %scan3A_270 = %scan3A_191 to %scan3A_193 step %scan3A_194  : i32 {
      %mul3A_271 = arith.constant 16 : i32
      %mul3A_272 = arith.muli %scan3A_270, %mul3A_271 : i32
      %get3A = arith.index_cast %mul3A_272 : i32 to index
      %get3A_273 = tpu.vector_load %arg6[%get3A] {strides = array<i32>} : memref<1024xi32, #tpu.memory_space<vmem>>, vector<16xi32>,
      %get3A_274 = vector.shape_cast %get3A_273 : vector<16xi32> to vector<16xi32>
      %shift_right_logical3A = arith.constant 13 : i32
      %shift_right_logical3A_275 = vector.broadcast %shift_right_logical3A : i32 to vector<16xi32>
      %shift_right_logical3A_276 = arith.shrui %get3A_274, %shift_right_logical3A_275 : vector<16xi32>
      %and3A = arith.constant 8191 : i32
      %and3A_277 = vector.broadcast %and3A : i32 to vector<16xi32>
      %and3A_278 = arith.andi %get3A_274, %and3A_277 : vector<16xi32>
      %shift_right_logical3A_279 = arith.constant 2 : i32
      %shift_right_logical3A_280 = vector.broadcast %shift_right_logical3A_279 : i32 to vector<16xi32>
      %shift_right_logical3A_281 = arith.shrui %shift_right_logical3A_276, %shift_right_logical3A_280 : vector<16xi32>
      %shift_left3A = arith.constant 15 : i32
      %shift_left3A_282 = vector.broadcast %shift_left3A : i32 to vector<16xi32>
      %shift_left3A_283 = arith.shli %shift_right_logical3A_281, %shift_left3A_282 : vector<16xi32>
      %shift_left3A_284 = arith.constant 2 : i32
      %shift_left3A_285 = vector.broadcast %shift_left3A_284 : i32 to vector<16xi32>
      %shift_left3A_286 = arith.shli %and3A_278, %shift_left3A_285 : vector<16xi32>
      %add3A_287 = arith.addi %shift_left3A_283, %shift_left3A_286 : vector<16xi32>
      %and3A_288 = arith.constant 3 : i32
      %and3A_289 = vector.broadcast %and3A_288 : i32 to vector<16xi32>
      %and3A_290 = arith.andi %shift_right_logical3A_276, %and3A_289 : vector<16xi32>
      %add3A_291 = arith.addi %add3A_287, %and3A_290 : vector<16xi32>
      %mul3A_292 = arith.constant 16 : i32
      %mul3A_293 = arith.muli %scan3A_270, %mul3A_292 : i32
      %swap3A = arith.index_cast %mul3A_293 : i32 to index
      %swap3A_294 = tpu.vector_load %arg6[%swap3A] {strides = array<i32>} : memref<1024xi32, #tpu.memory_space<vmem>>, vector<16xi32>,
      %swap3A_295 = vector.shape_cast %swap3A_294 : vector<16xi32> to vector<16xi32>
      %swap3A_296 = vector.shape_cast %add3A_291 : vector<16xi32> to vector<16xi32>
      tpu.vector_store %arg6[%swap3A], %swap3A_296 {strides = array<i32>} : memref<1024xi32, #tpu.memory_space<vmem>>, vector<16xi32>,
    }
    %scan3A_195 = arith.constant 64 : i32
    %dma_wait3A_196 = arith.constant 0 : i32
    %dma_wait3A_197 = tpu.memref_slice %arg4[%add3A_126, %dma_wait3A_196] : memref<327680x32xf32, #tpu.memory_space<hbm>> -> memref<1024x32xf32, #tpu.memory_space<hbm>>
    %dma_wait3A_198 = arith.constant 0 : i32
    %dma_wait3A_199 = tpu.memref_slice %arg4[%add3A_126, %dma_wait3A_198] : memref<327680x32xf32, #tpu.memory_space<hbm>> -> memref<1024x32xf32, #tpu.memory_space<hbm>>
    tpu.wait_dma2 semaphore(%arg18 : memref<!tpu.dma_semaphore, #tpu.memory_space<semaphore_mem>>) src(%arg9 : memref<1024x32xf32, #tpu.memory_space<vmem>>) dst(%dma_wait3A_199 : memref<1024x32xf32, #tpu.memory_space<hbm>>)
    %dma_start3A_200 = arith.constant 0 : i32
    %dma_start3A_201 = arith.constant 0 : i32
    %dma_start3A_202 = tpu.memref_slice %arg3[%dma_start3A_200, %dma_start3A_201] : memref<1015808x32xf32, #tpu.memory_space<hbm>> -> memref<1015808x32xf32, #tpu.memory_space<hbm>>
    tpu.enqueue_indirect_dma source(%dma_start3A_202 : memref<1015808x32xf32, #tpu.memory_space<hbm>>) target(%arg9 : memref<1024x32xf32, #tpu.memory_space<vmem>>) offsets(%arg6 : memref<1024xi32, #tpu.memory_space<vmem>>) semaphore(%arg15 : memref<!tpu.dma_semaphore, #tpu.memory_space<semaphore_mem>>)
    %dma_wait3A_203 = arith.constant 0 : i32
    %dma_wait3A_204 = arith.constant 0 : i32
    %dma_wait3A_205 = tpu.memref_slice %arg3[%dma_wait3A_203, %dma_wait3A_204] : memref<1015808x32xf32, #tpu.memory_space<hbm>> -> memref<1015808x32xf32, #tpu.memory_space<hbm>>
    tpu.wait_indirect_dma semaphore(%arg15 : memref<!tpu.dma_semaphore, #tpu.memory_space<semaphore_mem>>) src(%dma_wait3A_205 : memref<1015808x32xf32, #tpu.memory_space<hbm>>) dst(%arg9 : memref<1024x32xf32, #tpu.memory_space<vmem>>)
    %add3A_206 = arith.constant 7168 : i32
    %add3A_207 = arith.addi %mul3A_2, %add3A_206 : i32
    %dma_start3A_208 = arith.constant 0 : i32
    %dma_start3A_209 = tpu.memref_slice %arg4[%add3A_207, %dma_start3A_208] : memref<327680x32xf32, #tpu.memory_space<hbm>> -> memref<1024x32xf32, #tpu.memory_space<hbm>>
    %dma_start3A_210 = arith.constant 0 : i32
    %dma_start3A_211 = tpu.memref_slice %arg4[%add3A_207, %dma_start3A_210] : memref<327680x32xf32, #tpu.memory_space<hbm>> -> memref<1024x32xf32, #tpu.memory_space<hbm>>
    tpu.enqueue_dma source(%arg9 : memref<1024x32xf32, #tpu.memory_space<vmem>>) target(%dma_start3A_211 : memref<1024x32xf32, #tpu.memory_space<hbm>>) target_semaphore(%arg18 : memref<!tpu.dma_semaphore, #tpu.memory_space<semaphore_mem>>)
    %dma_wait3A_212 = tpu.memref_slice %arg2[%add3A_159] : memref<327680xi32, #tpu.memory_space<hbm>> -> memref<1024xi32, #tpu.memory_space<hbm>>
    %dma_wait3A_213 = tpu.memref_slice %arg2[%add3A_159] : memref<327680xi32, #tpu.memory_space<hbm>> -> memref<1024xi32, #tpu.memory_space<hbm>>
    tpu.wait_dma2 semaphore(%arg13 : memref<!tpu.dma_semaphore, #tpu.memory_space<semaphore_mem>>) src(%dma_wait3A_213 : memref<1024xi32, #tpu.memory_space<hbm>>) dst(%arg7 : memref<1024xi32, #tpu.memory_space<vmem>>)
    %scan3A_214 = arith.constant 0 : i32
    %scan3A_215 = arith.constant 64 : i32
    %scan3A_216 = arith.addi %scan3A_214, %scan3A_215 : i32
    %scan3A_217 = arith.constant 1 : i32
    scf.for %scan3A_270 = %scan3A_214 to %scan3A_216 step %scan3A_217  : i32 {
      %mul3A_271 = arith.constant 16 : i32
      %mul3A_272 = arith.muli %scan3A_270, %mul3A_271 : i32
      %get3A = arith.index_cast %mul3A_272 : i32 to index
      %get3A_273 = tpu.vector_load %arg7[%get3A] {strides = array<i32>} : memref<1024xi32, #tpu.memory_space<vmem>>, vector<16xi32>,
      %get3A_274 = vector.shape_cast %get3A_273 : vector<16xi32> to vector<16xi32>
      %shift_right_logical3A = arith.constant 13 : i32
      %shift_right_logical3A_275 = vector.broadcast %shift_right_logical3A : i32 to vector<16xi32>
      %shift_right_logical3A_276 = arith.shrui %get3A_274, %shift_right_logical3A_275 : vector<16xi32>
      %and3A = arith.constant 8191 : i32
      %and3A_277 = vector.broadcast %and3A : i32 to vector<16xi32>
      %and3A_278 = arith.andi %get3A_274, %and3A_277 : vector<16xi32>
      %shift_right_logical3A_279 = arith.constant 2 : i32
      %shift_right_logical3A_280 = vector.broadcast %shift_right_logical3A_279 : i32 to vector<16xi32>
      %shift_right_logical3A_281 = arith.shrui %shift_right_logical3A_276, %shift_right_logical3A_280 : vector<16xi32>
      %shift_left3A = arith.constant 15 : i32
      %shift_left3A_282 = vector.broadcast %shift_left3A : i32 to vector<16xi32>
      %shift_left3A_283 = arith.shli %shift_right_logical3A_281, %shift_left3A_282 : vector<16xi32>
      %shift_left3A_284 = arith.constant 2 : i32
      %shift_left3A_285 = vector.broadcast %shift_left3A_284 : i32 to vector<16xi32>
      %shift_left3A_286 = arith.shli %and3A_278, %shift_left3A_285 : vector<16xi32>
      %add3A_287 = arith.addi %shift_left3A_283, %shift_left3A_286 : vector<16xi32>
      %and3A_288 = arith.constant 3 : i32
      %and3A_289 = vector.broadcast %and3A_288 : i32 to vector<16xi32>
      %and3A_290 = arith.andi %shift_right_logical3A_276, %and3A_289 : vector<16xi32>
      %add3A_291 = arith.addi %add3A_287, %and3A_290 : vector<16xi32>
      %mul3A_292 = arith.constant 16 : i32
      %mul3A_293 = arith.muli %scan3A_270, %mul3A_292 : i32
      %swap3A = arith.index_cast %mul3A_293 : i32 to index
      %swap3A_294 = tpu.vector_load %arg7[%swap3A] {strides = array<i32>} : memref<1024xi32, #tpu.memory_space<vmem>>, vector<16xi32>,
      %swap3A_295 = vector.shape_cast %swap3A_294 : vector<16xi32> to vector<16xi32>
      %swap3A_296 = vector.shape_cast %add3A_291 : vector<16xi32> to vector<16xi32>
      tpu.vector_store %arg7[%swap3A], %swap3A_296 {strides = array<i32>} : memref<1024xi32, #tpu.memory_space<vmem>>, vector<16xi32>,
    }
    %scan3A_218 = arith.constant 64 : i32
    %dma_wait3A_219 = arith.constant 0 : i32
    %dma_wait3A_220 = tpu.memref_slice %arg4[%add3A_153, %dma_wait3A_219] : memref<327680x32xf32, #tpu.memory_space<hbm>> -> memref<1024x32xf32, #tpu.memory_space<hbm>>
    %dma_wait3A_221 = arith.constant 0 : i32
    %dma_wait3A_222 = tpu.memref_slice %arg4[%add3A_153, %dma_wait3A_221] : memref<327680x32xf32, #tpu.memory_space<hbm>> -> memref<1024x32xf32, #tpu.memory_space<hbm>>
    tpu.wait_dma2 semaphore(%arg19 : memref<!tpu.dma_semaphore, #tpu.memory_space<semaphore_mem>>) src(%arg10 : memref<1024x32xf32, #tpu.memory_space<vmem>>) dst(%dma_wait3A_222 : memref<1024x32xf32, #tpu.memory_space<hbm>>)
    %dma_start3A_223 = arith.constant 0 : i32
    %dma_start3A_224 = arith.constant 0 : i32
    %dma_start3A_225 = tpu.memref_slice %arg3[%dma_start3A_223, %dma_start3A_224] : memref<1015808x32xf32, #tpu.memory_space<hbm>> -> memref<1015808x32xf32, #tpu.memory_space<hbm>>
    tpu.enqueue_indirect_dma source(%dma_start3A_225 : memref<1015808x32xf32, #tpu.memory_space<hbm>>) target(%arg10 : memref<1024x32xf32, #tpu.memory_space<vmem>>) offsets(%arg7 : memref<1024xi32, #tpu.memory_space<vmem>>) semaphore(%arg16 : memref<!tpu.dma_semaphore, #tpu.memory_space<semaphore_mem>>)
    %dma_wait3A_226 = arith.constant 0 : i32
    %dma_wait3A_227 = arith.constant 0 : i32
    %dma_wait3A_228 = tpu.memref_slice %arg3[%dma_wait3A_226, %dma_wait3A_227] : memref<1015808x32xf32, #tpu.memory_space<hbm>> -> memref<1015808x32xf32, #tpu.memory_space<hbm>>
    tpu.wait_indirect_dma semaphore(%arg16 : memref<!tpu.dma_semaphore, #tpu.memory_space<semaphore_mem>>) src(%dma_wait3A_228 : memref<1015808x32xf32, #tpu.memory_space<hbm>>) dst(%arg10 : memref<1024x32xf32, #tpu.memory_space<vmem>>)
    %add3A_229 = arith.constant 8192 : i32
    %add3A_230 = arith.addi %mul3A_2, %add3A_229 : i32
    %dma_start3A_231 = arith.constant 0 : i32
    %dma_start3A_232 = tpu.memref_slice %arg4[%add3A_230, %dma_start3A_231] : memref<327680x32xf32, #tpu.memory_space<hbm>> -> memref<1024x32xf32, #tpu.memory_space<hbm>>
    %dma_start3A_233 = arith.constant 0 : i32
    %dma_start3A_234 = tpu.memref_slice %arg4[%add3A_230, %dma_start3A_233] : memref<327680x32xf32, #tpu.memory_space<hbm>> -> memref<1024x32xf32, #tpu.memory_space<hbm>>
    tpu.enqueue_dma source(%arg10 : memref<1024x32xf32, #tpu.memory_space<vmem>>) target(%dma_start3A_234 : memref<1024x32xf32, #tpu.memory_space<hbm>>) target_semaphore(%arg19 : memref<!tpu.dma_semaphore, #tpu.memory_space<semaphore_mem>>)
    %dma_wait3A_235 = tpu.memref_slice %arg2[%add3A_186] : memref<327680xi32, #tpu.memory_space<hbm>> -> memref<1024xi32, #tpu.memory_space<hbm>>
    %dma_wait3A_236 = tpu.memref_slice %arg2[%add3A_186] : memref<327680xi32, #tpu.memory_space<hbm>> -> memref<1024xi32, #tpu.memory_space<hbm>>
    tpu.wait_dma2 semaphore(%arg11 : memref<!tpu.dma_semaphore, #tpu.memory_space<semaphore_mem>>) src(%dma_wait3A_236 : memref<1024xi32, #tpu.memory_space<hbm>>) dst(%arg5 : memref<1024xi32, #tpu.memory_space<vmem>>)
    %scan3A_237 = arith.constant 0 : i32
    %scan3A_238 = arith.constant 64 : i32
    %scan3A_239 = arith.addi %scan3A_237, %scan3A_238 : i32
    %scan3A_240 = arith.constant 1 : i32
    scf.for %scan3A_270 = %scan3A_237 to %scan3A_239 step %scan3A_240  : i32 {
      %mul3A_271 = arith.constant 16 : i32
      %mul3A_272 = arith.muli %scan3A_270, %mul3A_271 : i32
      %get3A = arith.index_cast %mul3A_272 : i32 to index
      %get3A_273 = tpu.vector_load %arg5[%get3A] {strides = array<i32>} : memref<1024xi32, #tpu.memory_space<vmem>>, vector<16xi32>,
      %get3A_274 = vector.shape_cast %get3A_273 : vector<16xi32> to vector<16xi32>
      %shift_right_logical3A = arith.constant 13 : i32
      %shift_right_logical3A_275 = vector.broadcast %shift_right_logical3A : i32 to vector<16xi32>
      %shift_right_logical3A_276 = arith.shrui %get3A_274, %shift_right_logical3A_275 : vector<16xi32>
      %and3A = arith.constant 8191 : i32
      %and3A_277 = vector.broadcast %and3A : i32 to vector<16xi32>
      %and3A_278 = arith.andi %get3A_274, %and3A_277 : vector<16xi32>
      %shift_right_logical3A_279 = arith.constant 2 : i32
      %shift_right_logical3A_280 = vector.broadcast %shift_right_logical3A_279 : i32 to vector<16xi32>
      %shift_right_logical3A_281 = arith.shrui %shift_right_logical3A_276, %shift_right_logical3A_280 : vector<16xi32>
      %shift_left3A = arith.constant 15 : i32
      %shift_left3A_282 = vector.broadcast %shift_left3A : i32 to vector<16xi32>
      %shift_left3A_283 = arith.shli %shift_right_logical3A_281, %shift_left3A_282 : vector<16xi32>
      %shift_left3A_284 = arith.constant 2 : i32
      %shift_left3A_285 = vector.broadcast %shift_left3A_284 : i32 to vector<16xi32>
      %shift_left3A_286 = arith.shli %and3A_278, %shift_left3A_285 : vector<16xi32>
      %add3A_287 = arith.addi %shift_left3A_283, %shift_left3A_286 : vector<16xi32>
      %and3A_288 = arith.constant 3 : i32
      %and3A_289 = vector.broadcast %and3A_288 : i32 to vector<16xi32>
      %and3A_290 = arith.andi %shift_right_logical3A_276, %and3A_289 : vector<16xi32>
      %add3A_291 = arith.addi %add3A_287, %and3A_290 : vector<16xi32>
      %mul3A_292 = arith.constant 16 : i32
      %mul3A_293 = arith.muli %scan3A_270, %mul3A_292 : i32
      %swap3A = arith.index_cast %mul3A_293 : i32 to index
      %swap3A_294 = tpu.vector_load %arg5[%swap3A] {strides = array<i32>} : memref<1024xi32, #tpu.memory_space<vmem>>, vector<16xi32>,
      %swap3A_295 = vector.shape_cast %swap3A_294 : vector<16xi32> to vector<16xi32>
      %swap3A_296 = vector.shape_cast %add3A_291 : vector<16xi32> to vector<16xi32>
      tpu.vector_store %arg5[%swap3A], %swap3A_296 {strides = array<i32>} : memref<1024xi32, #tpu.memory_space<vmem>>, vector<16xi32>,
    }
    %scan3A_241 = arith.constant 64 : i32
    %dma_wait3A_242 = arith.constant 0 : i32
    %dma_wait3A_243 = tpu.memref_slice %arg4[%add3A_180, %dma_wait3A_242] : memref<327680x32xf32, #tpu.memory_space<hbm>> -> memref<1024x32xf32, #tpu.memory_space<hbm>>
    %dma_wait3A_244 = arith.constant 0 : i32
    %dma_wait3A_245 = tpu.memref_slice %arg4[%add3A_180, %dma_wait3A_244] : memref<327680x32xf32, #tpu.memory_space<hbm>> -> memref<1024x32xf32, #tpu.memory_space<hbm>>
    tpu.wait_dma2 semaphore(%arg17 : memref<!tpu.dma_semaphore, #tpu.memory_space<semaphore_mem>>) src(%arg8 : memref<1024x32xf32, #tpu.memory_space<vmem>>) dst(%dma_wait3A_245 : memref<1024x32xf32, #tpu.memory_space<hbm>>)
    %dma_start3A_246 = arith.constant 0 : i32
    %dma_start3A_247 = arith.constant 0 : i32
    %dma_start3A_248 = tpu.memref_slice %arg3[%dma_start3A_246, %dma_start3A_247] : memref<1015808x32xf32, #tpu.memory_space<hbm>> -> memref<1015808x32xf32, #tpu.memory_space<hbm>>
    tpu.enqueue_indirect_dma source(%dma_start3A_248 : memref<1015808x32xf32, #tpu.memory_space<hbm>>) target(%arg8 : memref<1024x32xf32, #tpu.memory_space<vmem>>) offsets(%arg5 : memref<1024xi32, #tpu.memory_space<vmem>>) semaphore(%arg14 : memref<!tpu.dma_semaphore, #tpu.memory_space<semaphore_mem>>)
    %dma_wait3A_249 = arith.constant 0 : i32
    %dma_wait3A_250 = arith.constant 0 : i32
    %dma_wait3A_251 = tpu.memref_slice %arg3[%dma_wait3A_249, %dma_wait3A_250] : memref<1015808x32xf32, #tpu.memory_space<hbm>> -> memref<1015808x32xf32, #tpu.memory_space<hbm>>
    tpu.wait_indirect_dma semaphore(%arg14 : memref<!tpu.dma_semaphore, #tpu.memory_space<semaphore_mem>>) src(%dma_wait3A_251 : memref<1015808x32xf32, #tpu.memory_space<hbm>>) dst(%arg8 : memref<1024x32xf32, #tpu.memory_space<vmem>>)
    %add3A_252 = arith.constant 9216 : i32
    %add3A_253 = arith.addi %mul3A_2, %add3A_252 : i32
    %dma_start3A_254 = arith.constant 0 : i32
    %dma_start3A_255 = tpu.memref_slice %arg4[%add3A_253, %dma_start3A_254] : memref<327680x32xf32, #tpu.memory_space<hbm>> -> memref<1024x32xf32, #tpu.memory_space<hbm>>
    %dma_start3A_256 = arith.constant 0 : i32
    %dma_start3A_257 = tpu.memref_slice %arg4[%add3A_253, %dma_start3A_256] : memref<327680x32xf32, #tpu.memory_space<hbm>> -> memref<1024x32xf32, #tpu.memory_space<hbm>>
    tpu.enqueue_dma source(%arg8 : memref<1024x32xf32, #tpu.memory_space<vmem>>) target(%dma_start3A_257 : memref<1024x32xf32, #tpu.memory_space<hbm>>) target_semaphore(%arg17 : memref<!tpu.dma_semaphore, #tpu.memory_space<semaphore_mem>>)
    %dma_wait3A_258 = arith.constant 0 : i32
    %dma_wait3A_259 = tpu.memref_slice %arg4[%add3A_207, %dma_wait3A_258] : memref<327680x32xf32, #tpu.memory_space<hbm>> -> memref<1024x32xf32, #tpu.memory_space<hbm>>
    %dma_wait3A_260 = arith.constant 0 : i32
    %dma_wait3A_261 = tpu.memref_slice %arg4[%add3A_207, %dma_wait3A_260] : memref<327680x32xf32, #tpu.memory_space<hbm>> -> memref<1024x32xf32, #tpu.memory_space<hbm>>
    tpu.wait_dma2 semaphore(%arg18 : memref<!tpu.dma_semaphore, #tpu.memory_space<semaphore_mem>>) src(%arg9 : memref<1024x32xf32, #tpu.memory_space<vmem>>) dst(%dma_wait3A_261 : memref<1024x32xf32, #tpu.memory_space<hbm>>)
    %dma_wait3A_262 = arith.constant 0 : i32
    %dma_wait3A_263 = tpu.memref_slice %arg4[%add3A_230, %dma_wait3A_262] : memref<327680x32xf32, #tpu.memory_space<hbm>> -> memref<1024x32xf32, #tpu.memory_space<hbm>>
    %dma_wait3A_264 = arith.constant 0 : i32
    %dma_wait3A_265 = tpu.memref_slice %arg4[%add3A_230, %dma_wait3A_264] : memref<327680x32xf32, #tpu.memory_space<hbm>> -> memref<1024x32xf32, #tpu.memory_space<hbm>>
    tpu.wait_dma2 semaphore(%arg19 : memref<!tpu.dma_semaphore, #tpu.memory_space<semaphore_mem>>) src(%arg10 : memref<1024x32xf32, #tpu.memory_space<vmem>>) dst(%dma_wait3A_265 : memref<1024x32xf32, #tpu.memory_space<hbm>>)
    %dma_wait3A_266 = arith.constant 0 : i32
    %dma_wait3A_267 = tpu.memref_slice %arg4[%add3A_253, %dma_wait3A_266] : memref<327680x32xf32, #tpu.memory_space<hbm>> -> memref<1024x32xf32, #tpu.memory_space<hbm>>
    %dma_wait3A_268 = arith.constant 0 : i32
    %dma_wait3A_269 = tpu.memref_slice %arg4[%add3A_253, %dma_wait3A_268] : memref<327680x32xf32, #tpu.memory_space<hbm>> -> memref<1024x32xf32, #tpu.memory_space<hbm>>
    tpu.wait_dma2 semaphore(%arg17 : memref<!tpu.dma_semaphore, #tpu.memory_space<semaphore_mem>>) src(%arg8 : memref<1024x32xf32, #tpu.memory_space<vmem>>) dst(%dma_wait3A_269 : memref<1024x32xf32, #tpu.memory_space<hbm>>)
    return
  }
}

module attributes {stable_mosaic.version = 14 : i64} {
  func.func @_sum_t_body(%arg0: i32, %arg1: memref<32x32768xf32, #tpu.memory_space<vmem>>, %arg2: memref<32x32768xf32, #tpu.memory_space<vmem>>, %arg3: memref<8192x128xf32, #tpu.memory_space<vmem>>) attributes {dimension_semantics = [#tpu.dimension_semantics<arbitrary>], iteration_bounds = array<i64: 31>, scalar_prefetch = 0 : i64, scratch_operands = 0 : i64, tpu.core_type = #tpu.core_type<tc>, window_params = [{transform_indices = @transform_0, window_bounds = array<i64: 32, 32768>}, {transform_indices = @transform_1, window_bounds = array<i64: 32, 32768>}, {transform_indices = @transform_2, window_bounds = array<i64: 8192, 128>}]} {
    %get3A = arith.constant 0 : index
    %get3A_0 = arith.constant 0 : index
    %get3A_1 = vector.load %arg1[%get3A, %get3A_0] : memref<32x32768xf32, #tpu.memory_space<vmem>>, vector<32x32768xf32>
    %get3A_2 = arith.constant 0 : index
    %get3A_3 = arith.constant 0 : index
    %get3A_4 = vector.load %arg2[%get3A_2, %get3A_3] : memref<32x32768xf32, #tpu.memory_space<vmem>>, vector<32x32768xf32>
    %add3A = arith.addf %get3A_1, %get3A_4 : vector<32x32768xf32>
    %slice3A = vector.extract_strided_slice %add3A {offsets = [0, 0], sizes = [32, 8192], strides = [1, 1]} : vector<32x32768xf32> to vector<32x8192xf32>
    %slice3A_5 = vector.extract_strided_slice %add3A {offsets = [0, 8192], sizes = [32, 8192], strides = [1, 1]} : vector<32x32768xf32> to vector<32x8192xf32>
    %slice3A_6 = vector.extract_strided_slice %add3A {offsets = [0, 16384], sizes = [32, 8192], strides = [1, 1]} : vector<32x32768xf32> to vector<32x8192xf32>
    %slice3A_7 = vector.extract_strided_slice %add3A {offsets = [0, 24576], sizes = [32, 8192], strides = [1, 1]} : vector<32x32768xf32> to vector<32x8192xf32>
    %concatenate3A = tpu.concatenate %slice3A, %slice3A_5, %slice3A_6, %slice3A_7 in 0 : vector<32x8192xf32>, vector<32x8192xf32>, vector<32x8192xf32>, vector<32x8192xf32> -> vector<128x8192xf32>
    %transpose3A = tpu.transpose %concatenate3A, [1, 0] : vector<128x8192xf32> -> vector<8192x128xf32>
    %swap3A = arith.constant 0 : index
    %swap3A_8 = arith.constant 0 : index
    %swap3A_9 = vector.load %arg3[%swap3A, %swap3A_8] : memref<8192x128xf32, #tpu.memory_space<vmem>>, vector<8192x128xf32>
    tpu.vector_store %arg3[%swap3A, %swap3A_8], %transpose3A {strides = array<i32>} : memref<8192x128xf32, #tpu.memory_space<vmem>>, vector<8192x128xf32>,
    return
  }
  func.func @transform_0(%arg0: i32) -> (i32, i32) {
    %c0_i32 = arith.constant 0 : i32
    %c0_i32_0 = arith.constant 0 : i32
    return %c0_i32, %arg0 : i32, i32
  }
  func.func @transform_1(%arg0: i32) -> (i32, i32) {
    %c0_i32 = arith.constant 0 : i32
    %c0_i32_0 = arith.constant 0 : i32
    return %c0_i32, %arg0 : i32, i32
  }
  func.func @transform_2(%arg0: i32) -> (i32, i32) {
    %c0_i32 = arith.constant 0 : i32
    %c0_i32_0 = arith.constant 0 : i32
    return %arg0, %c0_i32 : i32, i32
  }
}

module attributes {stable_mosaic.version = 14 : i64} {
  func.func @_to_out_body(%arg0: i32, %arg1: memref<2048x640xf32, #tpu.memory_space<vmem>>, %arg2: memref<20x32x2048xf32, #tpu.memory_space<vmem>>) attributes {dimension_semantics = [#tpu.dimension_semantics<arbitrary>], iteration_bounds = array<i64: 8>, scalar_prefetch = 0 : i64, scratch_operands = 0 : i64, tpu.core_type = #tpu.core_type<tc>, window_params = [{transform_indices = @transform_0, window_bounds = array<i64: 2048, 640>}, {transform_indices = @transform_1, window_bounds = array<i64: 20, 32, 2048>}]} {
    %get3A = arith.constant 0 : index
    %get3A_0 = arith.constant 0 : index
    %get3A_1 = vector.load %arg1[%get3A, %get3A_0] : memref<2048x640xf32, #tpu.memory_space<vmem>>, vector<2048x640xf32>
    %transpose3A = tpu.transpose %get3A_1, [1, 0] : vector<2048x640xf32> -> vector<640x2048xf32>
    %slice3A = vector.extract_strided_slice %transpose3A {offsets = [0, 0], sizes = [32, 2048], strides = [1, 1]} : vector<640x2048xf32> to vector<32x2048xf32>
    %swap3A = arith.constant 0 : index
    %swap3A_2 = arith.constant 0 : index
    %swap3A_3 = arith.constant 0 : index
    %swap3A_4 = vector.load %arg2[%swap3A, %swap3A_2, %swap3A_3] : memref<20x32x2048xf32, #tpu.memory_space<vmem>>, vector<1x32x2048xf32>
    %swap3A_5 = vector.shape_cast %swap3A_4 : vector<1x32x2048xf32> to vector<32x2048xf32>
    %swap3A_6 = vector.shape_cast %slice3A : vector<32x2048xf32> to vector<1x32x2048xf32>
    tpu.vector_store %arg2[%swap3A, %swap3A_2, %swap3A_3], %swap3A_6 {strides = array<i32>} : memref<20x32x2048xf32, #tpu.memory_space<vmem>>, vector<1x32x2048xf32>,
    %slice3A_7 = vector.extract_strided_slice %transpose3A {offsets = [32, 0], sizes = [32, 2048], strides = [1, 1]} : vector<640x2048xf32> to vector<32x2048xf32>
    %swap3A_8 = arith.constant 1 : index
    %swap3A_9 = arith.constant 0 : index
    %swap3A_10 = arith.constant 0 : index
    %swap3A_11 = vector.load %arg2[%swap3A_8, %swap3A_9, %swap3A_10] : memref<20x32x2048xf32, #tpu.memory_space<vmem>>, vector<1x32x2048xf32>
    %swap3A_12 = vector.shape_cast %swap3A_11 : vector<1x32x2048xf32> to vector<32x2048xf32>
    %swap3A_13 = vector.shape_cast %slice3A_7 : vector<32x2048xf32> to vector<1x32x2048xf32>
    tpu.vector_store %arg2[%swap3A_8, %swap3A_9, %swap3A_10], %swap3A_13 {strides = array<i32>} : memref<20x32x2048xf32, #tpu.memory_space<vmem>>, vector<1x32x2048xf32>,
    %slice3A_14 = vector.extract_strided_slice %transpose3A {offsets = [64, 0], sizes = [32, 2048], strides = [1, 1]} : vector<640x2048xf32> to vector<32x2048xf32>
    %swap3A_15 = arith.constant 2 : index
    %swap3A_16 = arith.constant 0 : index
    %swap3A_17 = arith.constant 0 : index
    %swap3A_18 = vector.load %arg2[%swap3A_15, %swap3A_16, %swap3A_17] : memref<20x32x2048xf32, #tpu.memory_space<vmem>>, vector<1x32x2048xf32>
    %swap3A_19 = vector.shape_cast %swap3A_18 : vector<1x32x2048xf32> to vector<32x2048xf32>
    %swap3A_20 = vector.shape_cast %slice3A_14 : vector<32x2048xf32> to vector<1x32x2048xf32>
    tpu.vector_store %arg2[%swap3A_15, %swap3A_16, %swap3A_17], %swap3A_20 {strides = array<i32>} : memref<20x32x2048xf32, #tpu.memory_space<vmem>>, vector<1x32x2048xf32>,
    %slice3A_21 = vector.extract_strided_slice %transpose3A {offsets = [96, 0], sizes = [32, 2048], strides = [1, 1]} : vector<640x2048xf32> to vector<32x2048xf32>
    %swap3A_22 = arith.constant 3 : index
    %swap3A_23 = arith.constant 0 : index
    %swap3A_24 = arith.constant 0 : index
    %swap3A_25 = vector.load %arg2[%swap3A_22, %swap3A_23, %swap3A_24] : memref<20x32x2048xf32, #tpu.memory_space<vmem>>, vector<1x32x2048xf32>
    %swap3A_26 = vector.shape_cast %swap3A_25 : vector<1x32x2048xf32> to vector<32x2048xf32>
    %swap3A_27 = vector.shape_cast %slice3A_21 : vector<32x2048xf32> to vector<1x32x2048xf32>
    tpu.vector_store %arg2[%swap3A_22, %swap3A_23, %swap3A_24], %swap3A_27 {strides = array<i32>} : memref<20x32x2048xf32, #tpu.memory_space<vmem>>, vector<1x32x2048xf32>,
    %slice3A_28 = vector.extract_strided_slice %transpose3A {offsets = [128, 0], sizes = [32, 2048], strides = [1, 1]} : vector<640x2048xf32> to vector<32x2048xf32>
    %swap3A_29 = arith.constant 4 : index
    %swap3A_30 = arith.constant 0 : index
    %swap3A_31 = arith.constant 0 : index
    %swap3A_32 = vector.load %arg2[%swap3A_29, %swap3A_30, %swap3A_31] : memref<20x32x2048xf32, #tpu.memory_space<vmem>>, vector<1x32x2048xf32>
    %swap3A_33 = vector.shape_cast %swap3A_32 : vector<1x32x2048xf32> to vector<32x2048xf32>
    %swap3A_34 = vector.shape_cast %slice3A_28 : vector<32x2048xf32> to vector<1x32x2048xf32>
    tpu.vector_store %arg2[%swap3A_29, %swap3A_30, %swap3A_31], %swap3A_34 {strides = array<i32>} : memref<20x32x2048xf32, #tpu.memory_space<vmem>>, vector<1x32x2048xf32>,
    %slice3A_35 = vector.extract_strided_slice %transpose3A {offsets = [160, 0], sizes = [32, 2048], strides = [1, 1]} : vector<640x2048xf32> to vector<32x2048xf32>
    %swap3A_36 = arith.constant 5 : index
    %swap3A_37 = arith.constant 0 : index
    %swap3A_38 = arith.constant 0 : index
    %swap3A_39 = vector.load %arg2[%swap3A_36, %swap3A_37, %swap3A_38] : memref<20x32x2048xf32, #tpu.memory_space<vmem>>, vector<1x32x2048xf32>
    %swap3A_40 = vector.shape_cast %swap3A_39 : vector<1x32x2048xf32> to vector<32x2048xf32>
    %swap3A_41 = vector.shape_cast %slice3A_35 : vector<32x2048xf32> to vector<1x32x2048xf32>
    tpu.vector_store %arg2[%swap3A_36, %swap3A_37, %swap3A_38], %swap3A_41 {strides = array<i32>} : memref<20x32x2048xf32, #tpu.memory_space<vmem>>, vector<1x32x2048xf32>,
    %slice3A_42 = vector.extract_strided_slice %transpose3A {offsets = [192, 0], sizes = [32, 2048], strides = [1, 1]} : vector<640x2048xf32> to vector<32x2048xf32>
    %swap3A_43 = arith.constant 6 : index
    %swap3A_44 = arith.constant 0 : index
    %swap3A_45 = arith.constant 0 : index
    %swap3A_46 = vector.load %arg2[%swap3A_43, %swap3A_44, %swap3A_45] : memref<20x32x2048xf32, #tpu.memory_space<vmem>>, vector<1x32x2048xf32>
    %swap3A_47 = vector.shape_cast %swap3A_46 : vector<1x32x2048xf32> to vector<32x2048xf32>
    %swap3A_48 = vector.shape_cast %slice3A_42 : vector<32x2048xf32> to vector<1x32x2048xf32>
    tpu.vector_store %arg2[%swap3A_43, %swap3A_44, %swap3A_45], %swap3A_48 {strides = array<i32>} : memref<20x32x2048xf32, #tpu.memory_space<vmem>>, vector<1x32x2048xf32>,
    %slice3A_49 = vector.extract_strided_slice %transpose3A {offsets = [224, 0], sizes = [32, 2048], strides = [1, 1]} : vector<640x2048xf32> to vector<32x2048xf32>
    %swap3A_50 = arith.constant 7 : index
    %swap3A_51 = arith.constant 0 : index
    %swap3A_52 = arith.constant 0 : index
    %swap3A_53 = vector.load %arg2[%swap3A_50, %swap3A_51, %swap3A_52] : memref<20x32x2048xf32, #tpu.memory_space<vmem>>, vector<1x32x2048xf32>
    %swap3A_54 = vector.shape_cast %swap3A_53 : vector<1x32x2048xf32> to vector<32x2048xf32>
    %swap3A_55 = vector.shape_cast %slice3A_49 : vector<32x2048xf32> to vector<1x32x2048xf32>
    tpu.vector_store %arg2[%swap3A_50, %swap3A_51, %swap3A_52], %swap3A_55 {strides = array<i32>} : memref<20x32x2048xf32, #tpu.memory_space<vmem>>, vector<1x32x2048xf32>,
    %slice3A_56 = vector.extract_strided_slice %transpose3A {offsets = [256, 0], sizes = [32, 2048], strides = [1, 1]} : vector<640x2048xf32> to vector<32x2048xf32>
    %swap3A_57 = arith.constant 8 : index
    %swap3A_58 = arith.constant 0 : index
    %swap3A_59 = arith.constant 0 : index
    %swap3A_60 = vector.load %arg2[%swap3A_57, %swap3A_58, %swap3A_59] : memref<20x32x2048xf32, #tpu.memory_space<vmem>>, vector<1x32x2048xf32>
    %swap3A_61 = vector.shape_cast %swap3A_60 : vector<1x32x2048xf32> to vector<32x2048xf32>
    %swap3A_62 = vector.shape_cast %slice3A_56 : vector<32x2048xf32> to vector<1x32x2048xf32>
    tpu.vector_store %arg2[%swap3A_57, %swap3A_58, %swap3A_59], %swap3A_62 {strides = array<i32>} : memref<20x32x2048xf32, #tpu.memory_space<vmem>>, vector<1x32x2048xf32>,
    %slice3A_63 = vector.extract_strided_slice %transpose3A {offsets = [288, 0], sizes = [32, 2048], strides = [1, 1]} : vector<640x2048xf32> to vector<32x2048xf32>
    %swap3A_64 = arith.constant 9 : index
    %swap3A_65 = arith.constant 0 : index
    %swap3A_66 = arith.constant 0 : index
    %swap3A_67 = vector.load %arg2[%swap3A_64, %swap3A_65, %swap3A_66] : memref<20x32x2048xf32, #tpu.memory_space<vmem>>, vector<1x32x2048xf32>
    %swap3A_68 = vector.shape_cast %swap3A_67 : vector<1x32x2048xf32> to vector<32x2048xf32>
    %swap3A_69 = vector.shape_cast %slice3A_63 : vector<32x2048xf32> to vector<1x32x2048xf32>
    tpu.vector_store %arg2[%swap3A_64, %swap3A_65, %swap3A_66], %swap3A_69 {strides = array<i32>} : memref<20x32x2048xf32, #tpu.memory_space<vmem>>, vector<1x32x2048xf32>,
    %slice3A_70 = vector.extract_strided_slice %transpose3A {offsets = [320, 0], sizes = [32, 2048], strides = [1, 1]} : vector<640x2048xf32> to vector<32x2048xf32>
    %swap3A_71 = arith.constant 10 : index
    %swap3A_72 = arith.constant 0 : index
    %swap3A_73 = arith.constant 0 : index
    %swap3A_74 = vector.load %arg2[%swap3A_71, %swap3A_72, %swap3A_73] : memref<20x32x2048xf32, #tpu.memory_space<vmem>>, vector<1x32x2048xf32>
    %swap3A_75 = vector.shape_cast %swap3A_74 : vector<1x32x2048xf32> to vector<32x2048xf32>
    %swap3A_76 = vector.shape_cast %slice3A_70 : vector<32x2048xf32> to vector<1x32x2048xf32>
    tpu.vector_store %arg2[%swap3A_71, %swap3A_72, %swap3A_73], %swap3A_76 {strides = array<i32>} : memref<20x32x2048xf32, #tpu.memory_space<vmem>>, vector<1x32x2048xf32>,
    %slice3A_77 = vector.extract_strided_slice %transpose3A {offsets = [352, 0], sizes = [32, 2048], strides = [1, 1]} : vector<640x2048xf32> to vector<32x2048xf32>
    %swap3A_78 = arith.constant 11 : index
    %swap3A_79 = arith.constant 0 : index
    %swap3A_80 = arith.constant 0 : index
    %swap3A_81 = vector.load %arg2[%swap3A_78, %swap3A_79, %swap3A_80] : memref<20x32x2048xf32, #tpu.memory_space<vmem>>, vector<1x32x2048xf32>
    %swap3A_82 = vector.shape_cast %swap3A_81 : vector<1x32x2048xf32> to vector<32x2048xf32>
    %swap3A_83 = vector.shape_cast %slice3A_77 : vector<32x2048xf32> to vector<1x32x2048xf32>
    tpu.vector_store %arg2[%swap3A_78, %swap3A_79, %swap3A_80], %swap3A_83 {strides = array<i32>} : memref<20x32x2048xf32, #tpu.memory_space<vmem>>, vector<1x32x2048xf32>,
    %slice3A_84 = vector.extract_strided_slice %transpose3A {offsets = [384, 0], sizes = [32, 2048], strides = [1, 1]} : vector<640x2048xf32> to vector<32x2048xf32>
    %swap3A_85 = arith.constant 12 : index
    %swap3A_86 = arith.constant 0 : index
    %swap3A_87 = arith.constant 0 : index
    %swap3A_88 = vector.load %arg2[%swap3A_85, %swap3A_86, %swap3A_87] : memref<20x32x2048xf32, #tpu.memory_space<vmem>>, vector<1x32x2048xf32>
    %swap3A_89 = vector.shape_cast %swap3A_88 : vector<1x32x2048xf32> to vector<32x2048xf32>
    %swap3A_90 = vector.shape_cast %slice3A_84 : vector<32x2048xf32> to vector<1x32x2048xf32>
    tpu.vector_store %arg2[%swap3A_85, %swap3A_86, %swap3A_87], %swap3A_90 {strides = array<i32>} : memref<20x32x2048xf32, #tpu.memory_space<vmem>>, vector<1x32x2048xf32>,
    %slice3A_91 = vector.extract_strided_slice %transpose3A {offsets = [416, 0], sizes = [32, 2048], strides = [1, 1]} : vector<640x2048xf32> to vector<32x2048xf32>
    %swap3A_92 = arith.constant 13 : index
    %swap3A_93 = arith.constant 0 : index
    %swap3A_94 = arith.constant 0 : index
    %swap3A_95 = vector.load %arg2[%swap3A_92, %swap3A_93, %swap3A_94] : memref<20x32x2048xf32, #tpu.memory_space<vmem>>, vector<1x32x2048xf32>
    %swap3A_96 = vector.shape_cast %swap3A_95 : vector<1x32x2048xf32> to vector<32x2048xf32>
    %swap3A_97 = vector.shape_cast %slice3A_91 : vector<32x2048xf32> to vector<1x32x2048xf32>
    tpu.vector_store %arg2[%swap3A_92, %swap3A_93, %swap3A_94], %swap3A_97 {strides = array<i32>} : memref<20x32x2048xf32, #tpu.memory_space<vmem>>, vector<1x32x2048xf32>,
    %slice3A_98 = vector.extract_strided_slice %transpose3A {offsets = [448, 0], sizes = [32, 2048], strides = [1, 1]} : vector<640x2048xf32> to vector<32x2048xf32>
    %swap3A_99 = arith.constant 14 : index
    %swap3A_100 = arith.constant 0 : index
    %swap3A_101 = arith.constant 0 : index
    %swap3A_102 = vector.load %arg2[%swap3A_99, %swap3A_100, %swap3A_101] : memref<20x32x2048xf32, #tpu.memory_space<vmem>>, vector<1x32x2048xf32>
    %swap3A_103 = vector.shape_cast %swap3A_102 : vector<1x32x2048xf32> to vector<32x2048xf32>
    %swap3A_104 = vector.shape_cast %slice3A_98 : vector<32x2048xf32> to vector<1x32x2048xf32>
    tpu.vector_store %arg2[%swap3A_99, %swap3A_100, %swap3A_101], %swap3A_104 {strides = array<i32>} : memref<20x32x2048xf32, #tpu.memory_space<vmem>>, vector<1x32x2048xf32>,
    %slice3A_105 = vector.extract_strided_slice %transpose3A {offsets = [480, 0], sizes = [32, 2048], strides = [1, 1]} : vector<640x2048xf32> to vector<32x2048xf32>
    %swap3A_106 = arith.constant 15 : index
    %swap3A_107 = arith.constant 0 : index
    %swap3A_108 = arith.constant 0 : index
    %swap3A_109 = vector.load %arg2[%swap3A_106, %swap3A_107, %swap3A_108] : memref<20x32x2048xf32, #tpu.memory_space<vmem>>, vector<1x32x2048xf32>
    %swap3A_110 = vector.shape_cast %swap3A_109 : vector<1x32x2048xf32> to vector<32x2048xf32>
    %swap3A_111 = vector.shape_cast %slice3A_105 : vector<32x2048xf32> to vector<1x32x2048xf32>
    tpu.vector_store %arg2[%swap3A_106, %swap3A_107, %swap3A_108], %swap3A_111 {strides = array<i32>} : memref<20x32x2048xf32, #tpu.memory_space<vmem>>, vector<1x32x2048xf32>,
    %slice3A_112 = vector.extract_strided_slice %transpose3A {offsets = [512, 0], sizes = [32, 2048], strides = [1, 1]} : vector<640x2048xf32> to vector<32x2048xf32>
    %swap3A_113 = arith.constant 16 : index
    %swap3A_114 = arith.constant 0 : index
    %swap3A_115 = arith.constant 0 : index
    %swap3A_116 = vector.load %arg2[%swap3A_113, %swap3A_114, %swap3A_115] : memref<20x32x2048xf32, #tpu.memory_space<vmem>>, vector<1x32x2048xf32>
    %swap3A_117 = vector.shape_cast %swap3A_116 : vector<1x32x2048xf32> to vector<32x2048xf32>
    %swap3A_118 = vector.shape_cast %slice3A_112 : vector<32x2048xf32> to vector<1x32x2048xf32>
    tpu.vector_store %arg2[%swap3A_113, %swap3A_114, %swap3A_115], %swap3A_118 {strides = array<i32>} : memref<20x32x2048xf32, #tpu.memory_space<vmem>>, vector<1x32x2048xf32>,
    %slice3A_119 = vector.extract_strided_slice %transpose3A {offsets = [544, 0], sizes = [32, 2048], strides = [1, 1]} : vector<640x2048xf32> to vector<32x2048xf32>
    %swap3A_120 = arith.constant 17 : index
    %swap3A_121 = arith.constant 0 : index
    %swap3A_122 = arith.constant 0 : index
    %swap3A_123 = vector.load %arg2[%swap3A_120, %swap3A_121, %swap3A_122] : memref<20x32x2048xf32, #tpu.memory_space<vmem>>, vector<1x32x2048xf32>
    %swap3A_124 = vector.shape_cast %swap3A_123 : vector<1x32x2048xf32> to vector<32x2048xf32>
    %swap3A_125 = vector.shape_cast %slice3A_119 : vector<32x2048xf32> to vector<1x32x2048xf32>
    tpu.vector_store %arg2[%swap3A_120, %swap3A_121, %swap3A_122], %swap3A_125 {strides = array<i32>} : memref<20x32x2048xf32, #tpu.memory_space<vmem>>, vector<1x32x2048xf32>,
    %slice3A_126 = vector.extract_strided_slice %transpose3A {offsets = [576, 0], sizes = [32, 2048], strides = [1, 1]} : vector<640x2048xf32> to vector<32x2048xf32>
    %swap3A_127 = arith.constant 18 : index
    %swap3A_128 = arith.constant 0 : index
    %swap3A_129 = arith.constant 0 : index
    %swap3A_130 = vector.load %arg2[%swap3A_127, %swap3A_128, %swap3A_129] : memref<20x32x2048xf32, #tpu.memory_space<vmem>>, vector<1x32x2048xf32>
    %swap3A_131 = vector.shape_cast %swap3A_130 : vector<1x32x2048xf32> to vector<32x2048xf32>
    %swap3A_132 = vector.shape_cast %slice3A_126 : vector<32x2048xf32> to vector<1x32x2048xf32>
    tpu.vector_store %arg2[%swap3A_127, %swap3A_128, %swap3A_129], %swap3A_132 {strides = array<i32>} : memref<20x32x2048xf32, #tpu.memory_space<vmem>>, vector<1x32x2048xf32>,
    %slice3A_133 = vector.extract_strided_slice %transpose3A {offsets = [608, 0], sizes = [32, 2048], strides = [1, 1]} : vector<640x2048xf32> to vector<32x2048xf32>
    %swap3A_134 = arith.constant 19 : index
    %swap3A_135 = arith.constant 0 : index
    %swap3A_136 = arith.constant 0 : index
    %swap3A_137 = vector.load %arg2[%swap3A_134, %swap3A_135, %swap3A_136] : memref<20x32x2048xf32, #tpu.memory_space<vmem>>, vector<1x32x2048xf32>
    %swap3A_138 = vector.shape_cast %swap3A_137 : vector<1x32x2048xf32> to vector<32x2048xf32>
    %swap3A_139 = vector.shape_cast %slice3A_133 : vector<32x2048xf32> to vector<1x32x2048xf32>
    tpu.vector_store %arg2[%swap3A_134, %swap3A_135, %swap3A_136], %swap3A_139 {strides = array<i32>} : memref<20x32x2048xf32, #tpu.memory_space<vmem>>, vector<1x32x2048xf32>,
    return
  }
  func.func @transform_0(%arg0: i32) -> (i32, i32) {
    %c0_i32 = arith.constant 0 : i32
    %c0_i32_0 = arith.constant 0 : i32
    return %arg0, %c0_i32 : i32, i32
  }
  func.func @transform_1(%arg0: i32) -> (i32, i32, i32) {
    %c0_i32 = arith.constant 0 : i32
    %c0_i32_0 = arith.constant 0 : i32
    %c0_i32_1 = arith.constant 0 : i32
    return %c0_i32, %c0_i32_0, %arg0 : i32, i32, i32
  }
}

</mosaic_0001>

<sc_bundles>
// kernel: kernel.5.cloned.1.call-start
scs
__scs_entry_jumppad:
0x0: {  	(pc) =	sbr.rel $0x88, $3  }
0x1: {  	(tag) =	ssettag $0x0;
	lr =	simm.s32 $0x1  }
0x2: {  	[smem:$0x3F9E] =	sst lr;
	_ =	strace $0xD0000000  }
0x3: {  	_ = 	snop  }
0x4: {  	_ = 	snop  }
0x5: {  	_ = 	snop  }
0x6: {  	_ = 	snop  }
0x7: {  	_ = 	snop  }
__scs_overlays_trampoline_lowered:
0x8: {  	[smem:$0x3FAD] =	sst s0  }
0x9: {  	[smem:$0x3FAE] =	sst s1  }
0xa: {  	[smem:$0x3FAF] =	sst s2  }
0xb: {  	[smem:$0x3FB0] =	sst s3  }
0xc: {  	[smem:$0x3FB1] =	sst s4  }
0xd: {  	[smem:$0x3FB2] =	sst s5  }
0xe: {  	[smem:$0x3FB3] =	sst s6  }
0xf: {  	[smem:$0x3FB4] =	sst s7  }
0x10: {  	[smem:$0x3FB5] =	sst s8  }
0x11: {  	[smem:$0x3FB6] =	sst s9;
	s0 =	simm.s32 @!p0 $0x0  }
0x12: {  	s1 =	sld [smem:$0x3F9C];
	s0 =	simm.s32 @p0 $0x1  }
0x13: {  	[smem:$0x3FB7] =	sst s0;
	s0 =	simm.s32 @!p1 $0x0  }
0x14: {  	s2 =	sld [smem:$0x3F9B];
	s0 =	simm.s32 @p1 $0x1  }
0x15: {  	[smem:$0x3FB8] =	sst s0;
	s0 =	simm.s32 @!p2 $0x0  }
0x16: {  	s3 =	sld [smem:$0x3FDB];
	s0 =	simm.s32 @p2 $0x1  }
0x17: {  	s4 =	simm.s32 $0x1BF5;
	[smem:$0x3FBA] =	sst s0  }
0x18: {  	s0 =	sld [smem:$0x3F9D];
	_ =	swait.ge [sflag:s4], $0x0  }
0x19: {  	s7 =	sld [smem:$0x3F9E]  }
0x1a: {  	s8 =	sadd.s32 $0xFFFFE003, lr  }
0x1b: {  	s9 =	sadd.s32 $0xFFFFFEF7, lr;
	s5 =	simm.s32 $0xFFFFFFFF;
	p2 =	slt.u32 s8, $0xFFFFF086  }
0x1c: {  	p1 =	slt.u32 s9, $0xF7A;
	s5 =	simm.s32 @!p2 $0x0  }
0x1d: {  	s5 =	simm.s32 @p1 $0x1;
	p0 =	seq.s32 s7, s2  }
0x1e: {  	s7 =	smul.u32 @!p0 $0xF7A, s2;
	p2 =	seq.s32 @!p0 s5, $0x0  }
0x1f: {  	s9 =	smul.u32 $0xF7A, s1;
	s8 =	simm.s32 @!p0 $0x1BF5;
	p2 =	por !p2, p0  }
0x20: {  	[sflag:s8] =	ssyncset.s32 @!p0 $0xFFFFF086;
	s6 =	sadd.s32 @!p0 s3, s7;
	s7 =	simm.s32 @!p0 $0x108  }
0x21: {  	s3 =	sadd.s32 s3, s9;
	s6 =	sadd.s32 @!p0 $0x88, s6;
	s7 =	simm.s32 @p2 $0x1082  }
0x22: {  	[simem:s7], [sflag:s8] =	dma.local @!p0 [hbm:s6], $0xF7A  }
0x23: {  	s9 =	sor.u32 $0xD0000000, s2;
	s6 =	simm.s32 $0x108;
	_ =	swait.ge @!p0 [sflag:s8], $0x0  }
0x24: {  	s3 =	sadd.s32 $0x88, s3;
	s6 =	simm.s32 @!p1 $0x1082;
	[sflag:s4] =	ssyncset.s32 $0xFFFFF086  }
0x25: {  	[simem:s6], [sflag:s4] =	dma.local [hbm:s3], $0xF7A  }
0x26: {  	[smem:$0x3F9E] =	sst s1;
	(tag) =	ssettag s2;
	_ =	strace s9  }
0x27: {  	s1 =	sld [smem:$0x3FAE]  }
0x28: {  	s2 =	sld [smem:$0x3FAF]  }
0x29: {  	s4 =	sld [smem:$0x3FB1]  }
0x2a: {  	p0 =	seq.s32 s5, $0x0;
	s5 =	sld [smem:$0x3FB2]  }
0x2b: {  	s6 =	sld [smem:$0x3FB3]  }
0x2c: {  	s7 =	sld [smem:$0x3FB4]  }
0x2d: {  	s3 =	simm.s32 $0x108;
	s8 =	sld [smem:$0x3FB5]  }
0x2e: {  	s3 =	simm.s32 @!p0 $0x1082;
	s9 =	sld [smem:$0x3FB6]  }
0x2f: {  	lr =	sadd.s32 s0, s3;
	s0 =	sld [smem:$0x3FAD]  }
0x30: {  	s3 =	sld [smem:$0x3FB0]  }
0x31: {  	[smem:$0x3FB9] =	sst s10  }
0x32: {  	s10 =	sld [smem:$0x3FB7];
	_ =	sdelay $0x3  }
0x33: {  	p0 =	seq.s32 s10, $0x1;
	s10 =	sld [smem:$0x3FB9];
	_ =	sdelay $0x3  }
0x34: {  	[smem:$0x3FB9] =	sst s10  }
0x35: {  	s10 =	sld [smem:$0x3FB8];
	_ =	sdelay $0x3  }
0x36: {  	p1 =	seq.s32 s10, $0x1;
	s10 =	sld [smem:$0x3FB9];
	_ =	sdelay $0x3  }
0x37: {  	[smem:$0x3FB9] =	sst s10  }
0x38: {  	s10 =	sld [smem:$0x3FBA]  }
0x39: {  	_ = 	snop;
	(pc) =	sbr.ind lr, $3  }
0x3a: {  	_ = 	snop  }
0x3b: {  	_ = 	snop  }
0x3c: {  	p2 =	seq.s32 s10, $0x1;
	s10 =	sld [smem:$0x3FB9]  }
0x3d: {  	_ =	shalt  }
0x3e: {  	_ =	shalt  }
0x3f: {  	_ =	shalt  }
0x40: {  	_ =	shalt  }
0x41: {  	_ =	shalt  }
0x42: {  	_ =	shalt  }
0x43: {  	_ =	shalt  }
0x44: {  	_ =	shalt  }
0x45: {  	_ =	shalt  }
0x46: {  	_ =	shalt  }
0x47: {  	_ =	shalt  }
0x48: {  	_ =	shalt  }
0x49: {  	_ =	shalt  }
0x4a: {  	_ =	shalt  }
0x4b: {  	_ =	shalt  }
0x4c: {  	_ =	shalt  }
0x4d: {  	_ =	shalt  }
0x4e: {  	_ =	shalt  }
0x4f: {  	_ =	shalt  }
0x50: {  	_ =	shalt  }
0x51: {  	_ =	shalt  }
0x52: {  	_ =	shalt  }
0x53: {  	_ =	shalt  }
0x54: {  	_ =	shalt  }
0x55: {  	_ =	shalt  }
0x56: {  	_ =	shalt  }
0x57: {  	_ =	shalt  }
0x58: {  	_ =	shalt  }
0x59: {  	_ =	shalt  }
0x5a: {  	_ =	shalt  }
0x5b: {  	_ =	shalt  }
0x5c: {  	_ =	shalt  }
0x5d: {  	_ =	shalt  }
0x5e: {  	_ =	shalt  }
0x5f: {  	_ =	shalt  }
0x60: {  	_ =	shalt  }
0x61: {  	_ =	shalt  }
0x62: {  	_ =	shalt  }
0x63: {  	_ =	shalt  }
0x64: {  	_ =	shalt  }
0x65: {  	_ =	shalt  }
0x66: {  	_ =	shalt  }
0x67: {  	_ =	shalt  }
0x68: {  	_ =	shalt  }
0x69: {  	_ =	shalt  }
0x6a: {  	_ =	shalt  }
0x6b: {  	_ =	shalt  }
0x6c: {  	_ =	shalt  }
0x6d: {  	_ =	shalt  }
0x6e: {  	_ =	shalt  }
0x6f: {  	_ =	shalt  }
0x70: {  	_ =	shalt  }
0x71: {  	_ =	shalt  }
0x72: {  	_ =	shalt  }
0x73: {  	_ =	shalt  }
0x74: {  	_ =	shalt  }
0x75: {  	_ =	shalt  }
0x76: {  	_ =	shalt  }
0x77: {  	_ =	shalt  }
0x78: {  	_ =	shalt  }
0x79: {  	_ =	shalt  }
0x7a: {  	_ =	shalt  }
0x7b: {  	_ =	shalt  }
0x7c: {  	_ =	shalt  }
0x7d: {  	_ =	shalt  }
0x7e: {  	_ =	shalt  }
0x7f: {  	_ =	shalt  }
0x80: {  	_ =	shalt  }
0x81: {  	_ =	shalt  }
0x82: {  	_ =	shalt  }
0x83: {  	_ =	shalt  }
0x84: {  	_ =	shalt  }
0x85: {  	_ =	shalt  }
0x86: {  	_ =	shalt  }
0x87: {  	_ =	shalt  }
.Lfunc_end0:
.L_simem_size_0:
called_computation_lowered:
.L_overlay_start_0:
0x88: {  	s2 =	sld [smem:$0x3FD9]  }
0x89: {  	s3 =	sld [smem:$0x3FFE];
	_ =	sdelay $0x1  }
0x8a: {  	s1 =	srdreg.scid  }
0x8b: {  	s0 =	sand.u32 $0x1, s1  }
0x8c: {  	s17 =	sshll.u32 s0, $0xA;
	s2 =	sadd.s32 s3, s2  }
0x8d: {  	s2 =	sadd.s32 s2, s17  }
0x8e: {  	[smem:$0x3FC5] =	sst s2  }
0x8f: {  	_ = 	snop  }
0x90: {  	s2 =	sld [smem:$0x3FD0];
	(tm) =	ssettm $0x1  }
0x91: {  	s18 =	sld [smem:$0x3FFB];
	_ =	sdelay $0x3  }
0x92: {  	_ =	strace s18  }
0x93: {  	s3 =	sld [smem:$0x3FFC];
	_ =	sdelay $0x3  }
0x94: {  	_ =	strace s3  }
0x95: {  	s3 =	sld [smem:$0x3FFD];
	_ =	sdelay $0x3  }
0x96: {  	_ =	strace s3  }
0x97: {  	_ =	strace $0x8FFFFFFF  }
0x98: {  	s19 =	sld [smem:$0x3FDB];
	_ =	sdelay $0x1  }
0x99: {  	s4 =	simm.s32 $_scs_section_size  }
0x9a: {  	s5 =	simm.s32 $_size__tile_overlayer_lowered;
	s6 =	simm.s32 $_tile_overlayer_lowered  }
0x9b: {  	s22 =	simm.s32 $0x1BFF;
	s21 =	sshll.u32 s6, $0x1;
	s3 =	sadd.s32 s4, s19  }
0x9c: {  	s7 =	simm.s32 $0x0;
	s20 =	sshll.u32 s5, $0x1;
	s5 =	sadd.s32 s21, s3  }
0x9d: {  	[timem:s7], [sflag:s22] =	dma.local [hbm:s5], s20  }
0x9e: {  	_ =	swait.ge [sflag:s22], s20  }
0x9f: {  	s4 =	ssub.s32 $0x0, s20;
	[sflag:s22] =	ssyncset.done $0x0  }
0xa0: {  	[sflag:s22] =	ssyncadd.s32 s4;
	_ =	sdelay $0x1  }
0xa1: {  	s23 =	simm.s32 $0x1B8B  }
0xa2: {  	_ =	swait.ge [sflag:s23], $0x1  }
0xa3: {  	[sflag:s23] =	ssyncset.done $0x0  }
0xa4: {  	s25 =	simm.s32 $0x1B8E;
	s24 =	sld [smem:$0x3FFE];
	[sflag:s23] =	ssyncadd.s32 $0xFFFFFFFF  }
0xa5: {  	s26 =	simm.s32 $execute0_lowered;
	[smem:$0x3FD2] =	sst s25  }
0xa6: {  	s5 =	sshll.u32 s26, $0x1;
	_ =	strace $0x80000046;
	[dreg:$0x1] =	wrdreg $0xFFFFFFFF  }
0xa7: {  	s28 =	simm.s32 $_size_execute0_lowered;
	s3 =	sadd.s32 s3, s5;
	[dreg:$0x0] =	wrdreg $0x0  }
0xa8: {  	s5 =	sshll.u32 s28, $0x1;
	[dreg:$0x2] =	wrdreg s3  }
0xa9: {  	[dreg:$0x3] =	wrdreg s5  }
0xaa: {  	[dreg:$0x4] =	wrdreg $0xC0  }
0xab: {  	_ =	task [dreg:s7], $0x5FFFF  }
0xac: {  	[dreg:$0x1] =	wrdreg $0xFFFFFFFF  }
0xad: {  	[dreg:$0x0] =	wrdreg $0x60  }
0xae: {  	[dreg:$0x2] =	wrdreg s24  }
0xaf: {  	[dreg:$0x3] =	wrdreg s2  }
0xb0: {  	[dreg:$0x4] =	wrdreg $0x9  }
0xb1: {  	_ =	task.clear_ibuf [dreg:s7], $0x5FFFF;
	_ =	strace $0x90000046  }
0xb2: {  	s29 =	simm.s32 $0x9;
	_ =	strace $0x80000048  }
0xb3: {  	_ =	swait.ge [sflag:s29], $0x1  }
0xb4: {  	[sflag:s29] =	ssyncadd.s32 $0xFFFFFFFF  }
0xb5: {  	_ =	strace $0x90000048  }
0xb6: {  	_ =	sfence  }
0xb7: {  	s30 =	sld [smem:$0x0];
	_ =	sdelay $0x2  }
0xb8: {  	s31 =	sshll.u32 s1, $0xD;
	s1 =	sshrl.u32 s1, $0x2  }
0xb9: {  	s3 =	sand.u32 $0x4000, s31;
	s1 =	sadd.s32 s1, s30  }
0xba: {  	s0 =	sor.u32 s3, s0;
	s1 =	sshll.u32 s1, $0x11  }
0xbb: {  	s0 =	sor.u32 s1, s0  }
0xbc: {  	s0 =	sadd.s32 $0x8F2B, s0  }
0xbd: {  	[sflag:s0] =	ssyncadd.remote.s32 $0x1  }
0xbe: {  	_ =	sfence.sel $0xFFFF  }
0xbf: {  	[dreg:$0x0] =	wrdreg $0xFFFFFFFF;
	(pc) =	sbr.abs _section_cstart, $3  }
0xc0: {  	[dreg:$0x1] =	wrdreg $0xFFFFFFFF  }
0xc1: {  	_ =	task.clear_ibuf [dreg:s7], $0x2FFFF;
	_ =	strace $0x9FFFFFFF  }
0xc2: {  	(tm) =	ssettm $0x7FFFFFFF  }
0xc3: {  	_ =	shalt  }
tec
execute0_lowered:
.L_overlay_start_1:
0x0: {  	(tag) =	ssettag $0x1  }
0x1: {  	s0 =	rddreg [dreg:$0x0]  }
0x2: {  	s1 =	srdreg.scid;
	s2 =	stileid.u32  }
0x3: {  	s3 =	rddreg [dreg:$0x1];
	s28 =	simm.s32 $0x1;
	s29 =	simm.s32 $0xC00  }
0x4: {  	s30 =	simm.s32 $0x4;
	s1 =	sand.u32 $0x1, s1;
	s2 =	sshll.u32 s2, $0x1  }
0x5: {  	s31 =	simm.s32 $0x2;
	s7 =	sadd.s32 $0x400, s0;
	s4 =	sor.u32 s1, s2  }
0x6: {  	s2 =	simm.s32 $0x0;
	s1 =	ssub.s32 $0x2, s1;
	s5 =	smul.u32 $0x2800, s4  }
0x7: {  	[smem:$0x7FF] =	sst s2;
	s6 =	sshrl.u32 s1, $0x1;
	s4 =	smul.u32 $0xA000, s4  }
0x8: {  	s1 =	ssub.s32 s1, s6;
	s17 =	sshrl.u32 s5, $0x3;
	s18 =	sor.u32 $0x400, s5  }
0x9: {  	s8 =	sadd.s32 $0x800, s5;
	s11 =	sadd.s32 $0xC00, s5;
	s21 =	sadd.s32 $0x1000, s5  }
0xa: {  	s26 =	sadd.s32 $0x1C00, s5;
	s22 =	sadd.s32 $0x2000, s5;
	s6 =	sadd.s32 s7, s17  }
0xb: {  	s9 =	sshrl.u32 s18, $0x3;
	s10 =	sshrl.u32 s8, $0x3;
	s20 =	sshrl.u32 s11, $0x3  }
0xc: {  	s23 =	sshrl.u32 s21, $0x3;
	s13 =	sshrl.u32 s26, $0x3;
	s14 =	sshrl.u32 s22, $0x3  }
0xd: {  	s15 =	sshll.u32 s18, $0x2;
	s16 =	sshll.u32 s8, $0x2;
	s17 =	sshll.u32 s11, $0x2  }
0xe: {  	s18 =	sshll.u32 s21, $0x2;
	s8 =	simm.s32 $0x9;
	[dreg:$0x3] =	wrdreg s6  }
0xf: {  	s9 =	sadd.s32 s7, s9;
	s19 =	sadd.s32 s7, s10;
	s10 =	sadd.s32 s7, s23  }
0x10: {  	s15 =	sadd.s32 s3, s15;
	s16 =	sadd.s32 s3, s16;
	s17 =	sadd.s32 s3, s17  }
0x11: {  	s18 =	sadd.s32 s3, s18;
	s6 =	simm.s32 $0x7;
	[dreg:$0x4] =	wrdreg s9  }
0x12: {  	[dreg:$0x5] =	wrdreg s19;
	s9 =	sadd.s32 s7, s20;
	s19 =	sadd.s32 $0x1400, s5  }
0x13: {  	s20 =	sadd.s32 $0x1800, s5;
	[dreg:$0x7] =	wrdreg s10;
	s5 =	sadd.s32 $0x2400, s5  }
0x14: {  	[dreg:$0x6] =	wrdreg s9;
	s24 =	sshrl.u32 s19, $0x3;
	s12 =	sshrl.u32 s20, $0x3  }
0x15: {  	s21 =	sshll.u32 s19, $0x2;
	s23 =	sshll.u32 s20, $0x2;
	s9 =	simm.s32 $0x0  }
0x16: {  	s10 =	sadd.s32 s7, s24;
	s25 =	sadd.s32 s7, s12;
	s12 =	sadd.s32 s7, s13  }
0x17: {  	s13 =	sshrl.u32 s5, $0x3;
	s19 =	sadd.s32 s3, s21;
	[dreg:$0x8] =	wrdreg s10  }
0x18: {  	s20 =	sadd.s32 s3, s23;
	s24 =	sshll.u32 s26, $0x2;
	[dreg:$0x9] =	wrdreg s25  }
0x19: {  	s26 =	sshll.u32 s5, $0x2;
	s5 =	simm.s32 $0x6;
	[dreg:$0xa] =	wrdreg s12  }
0x1a: {  	s12 =	sadd.s32 s7, s14;
	s14 =	sadd.s32 s3, s4;
	s21 =	sadd.s32 s3, s24  }
0x1b: {  	s25 =	sshll.u32 s22, $0x2;
	s23 =	sadd.s32 s3, s26;
	s24 =	smax.u32 s1, $0x1  }
0x1c: {  	s26 =	simm.s32 $0x800;
	s1 =	simm.s32 $0x8C00;
	s4 =	simm.s32 $0x10C00  }
0x1d: {  	[dreg:$0xb] =	wrdreg s12;
	s12 =	sadd.s32 s7, s13;
	s13 =	sadd.s32 $0xA400, s0  }
0x1e: {  	s22 =	sadd.s32 s3, s25;
	s25 =	simm.s32 $0x400;
	s0 =	simm.s32 $0x5  }
0x1f: {  	s3 =	simm.s32 $0x3;
	s7 =	simm.s32 $0x8;
	_ =	strace $0x80000047  }
.LBB2_1:
0x20: {  	s10 =	rddreg [dreg:$0x3]  }
0x21: {  	[tilespmem:s2], [sflag:$0x1] =	stream.linear.gather [hbm4b:s10+s2], $0x400, $0x38;
	[tilespmem:$0x18C00] =	vst v63  }
0x22: {  	s11 =	rddreg [dreg:$0x4]  }
0x23: {  	[tilespmem:s25], [sflag:$0x2] =	stream.linear.gather [hbm4b:s11+s2], $0x400, $0x38;
	[tilespmem:$0x18C00] =	vst v63  }
0x24: {  	s11 =	rddreg [dreg:$0x5]  }
0x25: {  	[tilespmem:s26], [sflag:$0x3] =	stream.linear.gather [hbm4b:s11+s2], $0x400, $0x38;
	[tilespmem:$0x18C00] =	vst v63  }
0x26: {  	_ =	swait.ge [sflag:s28], $0x400  }
0x27: {  	[sflag:s28] =	ssyncset.done $0x0  }
0x28: {  	s10 =	simm.s32 $0x0;
	s11 =	simm.s32 $0x40;
	[sflag:s28] =	ssyncadd.s32 $0xFFFFFC00  }
.LBB2_2:
0x29: {  	p0 =	sne.s32 s11, $0xFC0;
	v0 =	vld [tilespmem:s10+$0x0];
	_ =	sdelay $0x4  }
.Ltmp0:
0x2a: {  	v1 =	vshll.u32 v0, $0x2;
	(pc) =	sbr.rel @p0 .LBB2_2-.Ltmp0, $4  }
0x2b: {  	v2 =	vshrl.u32 v0, $0xD;
	v0 =	vand.u32 $0xFFFF8000, v0;
	v1 =	vand.u32 $0x7FFC, v1  }
0x2c: {  	v0 =	vor.u32 v0, v1;
	v1 =	vand.u32 $0x3, v2  }
0x2d: {  	v0 =	vor.u32 v1, v0  }
0x2e: {  	[tilespmem:s10+$0x0] =	vst v0;
	s10 =	sshra.s32 s11, $0x2;
	s11 =	sadd.s32 $0x40, s11  }
0x2f: {  	v0 =	vld [tilespmem:s10+$0x0];
	_ =	sdelay $0x4  }
0x30: {  	v1 =	vshll.u32 v0, $0x2  }
0x31: {  	v2 =	vshrl.u32 v0, $0xD;
	v0 =	vand.u32 $0xFFFF8000, v0;
	v1 =	vand.u32 $0x7FFC, v1  }
0x32: {  	v63 =	vand.u32 $0x3, v2;
	v0 =	vor.u32 v0, v1  }
0x33: {  	v0 =	vor.u32 v63, v0  }
0x34: {  	[tilespmem:s10+$0x0] =	vst v0;
	s10 =	simm.s32 $0x0  }
0x35: {  	[tilespmem:s29], [sflag:$0x4] =	stream.indirect.gather [hbm4b:s13+s25], $0x20, s10, s25, $0xb8;
	[tilespmem:$0x18C00] =	vst v63  }
0x36: {  	_ =	swait.ge [sflag:s30], $0x8000  }
0x37: {  	[sflag:s30] =	ssyncset.done $0x0  }
0x38: {  	[sflag:s30] =	ssyncadd.s32 $0xFFFF8000  }
0x39: {  	[hbm4b:s14+s10] =	stream.linear.scatter [tilespmem:s29], [sflag:$0x7], $0x8000, $0x38;
	[tilespmem:$0x18C00] =	vst v63  }
0x3a: {  	s11 =	rddreg [dreg:$0x6]  }
0x3b: {  	[tilespmem:s10], [sflag:$0x1] =	stream.linear.gather [hbm4b:s11+s10], $0x400, $0x38;
	[tilespmem:$0x18C00] =	vst v63  }
0x3c: {  	_ =	swait.ge [sflag:s31], $0x400  }
0x3d: {  	[sflag:s31] =	ssyncset.done $0x0  }
0x3e: {  	s10 =	simm.s32 $0x0;
	s11 =	simm.s32 $0x40;
	[sflag:s31] =	ssyncadd.s32 $0xFFFFFC00  }
.LBB2_4:
0x3f: {  	p0 =	sne.s32 s11, $0xFC0;
	v0 =	vld [tilespmem:s10+$0x400];
	_ =	sdelay $0x4  }
.Ltmp1:
0x40: {  	v1 =	vshll.u32 v0, $0x2;
	(pc) =	sbr.rel @p0 .LBB2_4-.Ltmp1, $4  }
0x41: {  	v2 =	vshrl.u32 v0, $0xD;
	v0 =	vand.u32 $0xFFFF8000, v0;
	v1 =	vand.u32 $0x7FFC, v1  }
0x42: {  	v0 =	vor.u32 v0, v1;
	v1 =	vand.u32 $0x3, v2  }
0x43: {  	v0 =	vor.u32 v1, v0  }
0x44: {  	[tilespmem:s10+$0x400] =	vst v0;
	s10 =	sshra.s32 s11, $0x2;
	s11 =	sadd.s32 $0x40, s11  }
0x45: {  	v0 =	vld [tilespmem:s10+$0x400];
	_ =	sdelay $0x4  }
0x46: {  	v1 =	vshll.u32 v0, $0x2  }
0x47: {  	v2 =	vshrl.u32 v0, $0xD;
	v0 =	vand.u32 $0xFFFF8000, v0;
	v1 =	vand.u32 $0x7FFC, v1  }
0x48: {  	v63 =	vand.u32 $0x3, v2;
	v0 =	vor.u32 v0, v1  }
0x49: {  	v0 =	vor.u32 v63, v0  }
0x4a: {  	[tilespmem:s10+$0x400] =	vst v0  }
0x4b: {  	[tilespmem:s1], [sflag:$0x5] =	stream.indirect.gather [hbm4b:s13+s25], $0x20, s25, s25, $0xb8;
	[tilespmem:$0x18C00] =	vst v63  }
0x4c: {  	_ =	swait.ge [sflag:s0], $0x8000  }
0x4d: {  	[sflag:s0] =	ssyncset.done $0x0  }
0x4e: {  	s10 =	simm.s32 $0x0;
	[sflag:s0] =	ssyncadd.s32 $0xFFFF8000  }
0x4f: {  	[hbm4b:s15+s10] =	stream.linear.scatter [tilespmem:s1], [sflag:$0x8], $0x8000, $0x38;
	[tilespmem:$0x18C00] =	vst v63  }
0x50: {  	s11 =	rddreg [dreg:$0x7]  }
0x51: {  	[tilespmem:s25], [sflag:$0x2] =	stream.linear.gather [hbm4b:s11+s10], $0x400, $0x38;
	[tilespmem:$0x18C00] =	vst v63  }
0x52: {  	_ =	swait.ge [sflag:s3], $0x400  }
0x53: {  	[sflag:s3] =	ssyncset.done $0x0  }
0x54: {  	s10 =	simm.s32 $0x0;
	s11 =	simm.s32 $0x40;
	[sflag:s3] =	ssyncadd.s32 $0xFFFFFC00  }
.LBB2_6:
0x55: {  	p0 =	sne.s32 s11, $0xFC0;
	v0 =	vld [tilespmem:s10+$0x800];
	_ =	sdelay $0x4  }
.Ltmp2:
0x56: {  	v1 =	vshll.u32 v0, $0x2;
	(pc) =	sbr.rel @p0 .LBB2_6-.Ltmp2, $4  }
0x57: {  	v2 =	vshrl.u32 v0, $0xD;
	v0 =	vand.u32 $0xFFFF8000, v0;
	v1 =	vand.u32 $0x7FFC, v1  }
0x58: {  	v0 =	vor.u32 v0, v1;
	v1 =	vand.u32 $0x3, v2  }
0x59: {  	v0 =	vor.u32 v1, v0  }
0x5a: {  	[tilespmem:s10+$0x800] =	vst v0;
	s10 =	sshra.s32 s11, $0x2;
	s11 =	sadd.s32 $0x40, s11  }
0x5b: {  	v0 =	vld [tilespmem:s10+$0x800];
	_ =	sdelay $0x4  }
0x5c: {  	v1 =	vshll.u32 v0, $0x2  }
0x5d: {  	v2 =	vshrl.u32 v0, $0xD;
	v0 =	vand.u32 $0xFFFF8000, v0;
	v1 =	vand.u32 $0x7FFC, v1  }
0x5e: {  	v63 =	vand.u32 $0x3, v2;
	v0 =	vor.u32 v0, v1  }
0x5f: {  	v0 =	vor.u32 v63, v0  }
0x60: {  	[tilespmem:s10+$0x800] =	vst v0  }
0x61: {  	[tilespmem:s4], [sflag:$0x6] =	stream.indirect.gather [hbm4b:s13+s25], $0x20, s26, s25, $0xb8;
	[tilespmem:$0x18C00] =	vst v63  }
0x62: {  	_ =	swait.ge [sflag:s5], $0x8000  }
0x63: {  	[sflag:s5] =	ssyncset.done $0x0  }
0x64: {  	s10 =	simm.s32 $0x0;
	[sflag:s5] =	ssyncadd.s32 $0xFFFF8000  }
0x65: {  	[hbm4b:s16+s10] =	stream.linear.scatter [tilespmem:s4], [sflag:$0x9], $0x8000, $0x38;
	[tilespmem:$0x18C00] =	vst v63  }
0x66: {  	s11 =	rddreg [dreg:$0x8]  }
0x67: {  	[tilespmem:s26], [sflag:$0x3] =	stream.linear.gather [hbm4b:s11+s10], $0x400, $0x38;
	[tilespmem:$0x18C00] =	vst v63  }
0x68: {  	_ =	swait.ge [sflag:s28], $0x400  }
0x69: {  	[sflag:s28] =	ssyncset.done $0x0  }
0x6a: {  	s10 =	simm.s32 $0x0;
	s11 =	simm.s32 $0x40;
	[sflag:s28] =	ssyncadd.s32 $0xFFFFFC00  }
.LBB2_8:
0x6b: {  	p0 =	sne.s32 s11, $0xFC0;
	v0 =	vld [tilespmem:s10+$0x0];
	_ =	sdelay $0x4  }
.Ltmp3:
0x6c: {  	v1 =	vshll.u32 v0, $0x2;
	(pc) =	sbr.rel @p0 .LBB2_8-.Ltmp3, $4  }
0x6d: {  	v2 =	vshrl.u32 v0, $0xD;
	v0 =	vand.u32 $0xFFFF8000, v0;
	v1 =	vand.u32 $0x7FFC, v1  }
0x6e: {  	v0 =	vor.u32 v0, v1;
	v1 =	vand.u32 $0x3, v2  }
0x6f: {  	v0 =	vor.u32 v1, v0  }
0x70: {  	[tilespmem:s10+$0x0] =	vst v0;
	s10 =	sshra.s32 s11, $0x2;
	s11 =	sadd.s32 $0x40, s11  }
0x71: {  	v0 =	vld [tilespmem:s10+$0x0];
	_ =	sdelay $0x4  }
0x72: {  	v1 =	vshll.u32 v0, $0x2  }
0x73: {  	v2 =	vshrl.u32 v0, $0xD;
	v0 =	vand.u32 $0xFFFF8000, v0;
	v1 =	vand.u32 $0x7FFC, v1  }
0x74: {  	v63 =	vand.u32 $0x3, v2;
	v0 =	vor.u32 v0, v1  }
0x75: {  	v0 =	vor.u32 v63, v0  }
0x76: {  	[tilespmem:s10+$0x0] =	vst v0  }
0x77: {  	_ =	swait.ge [sflag:s6], $0x8000  }
0x78: {  	[sflag:s6] =	ssyncset.done $0x0  }
0x79: {  	s10 =	simm.s32 $0x0;
	[sflag:s6] =	ssyncadd.s32 $0xFFFF8000  }
0x7a: {  	[tilespmem:s29], [sflag:$0x4] =	stream.indirect.gather [hbm4b:s13+s25], $0x20, s10, s25, $0xb8;
	[tilespmem:$0x18C00] =	vst v63  }
0x7b: {  	_ =	swait.ge [sflag:s30], $0x8000  }
0x7c: {  	[sflag:s30] =	ssyncset.done $0x0  }
0x7d: {  	[sflag:s30] =	ssyncadd.s32 $0xFFFF8000  }
0x7e: {  	[hbm4b:s17+s10] =	stream.linear.scatter [tilespmem:s29], [sflag:$0x7], $0x8000, $0x38;
	[tilespmem:$0x18C00] =	vst v63  }
0x7f: {  	s11 =	rddreg [dreg:$0x9]  }
0x80: {  	[tilespmem:s10], [sflag:$0x1] =	stream.linear.gather [hbm4b:s11+s10], $0x400, $0x38;
	[tilespmem:$0x18C00] =	vst v63  }
0x81: {  	_ =	swait.ge [sflag:s31], $0x400  }
0x82: {  	[sflag:s31] =	ssyncset.done $0x0  }
0x83: {  	s10 =	simm.s32 $0x0;
	s11 =	simm.s32 $0x40;
	[sflag:s31] =	ssyncadd.s32 $0xFFFFFC00  }
.LBB2_10:
0x84: {  	p0 =	sne.s32 s11, $0xFC0;
	v0 =	vld [tilespmem:s10+$0x400];
	_ =	sdelay $0x4  }
.Ltmp4:
0x85: {  	v1 =	vshll.u32 v0, $0x2;
	(pc) =	sbr.rel @p0 .LBB2_10-.Ltmp4, $4  }
0x86: {  	v2 =	vshrl.u32 v0, $0xD;
	v0 =	vand.u32 $0xFFFF8000, v0;
	v1 =	vand.u32 $0x7FFC, v1  }
0x87: {  	v0 =	vor.u32 v0, v1;
	v1 =	vand.u32 $0x3, v2  }
0x88: {  	v0 =	vor.u32 v1, v0  }
0x89: {  	[tilespmem:s10+$0x400] =	vst v0;
	s10 =	sshra.s32 s11, $0x2;
	s11 =	sadd.s32 $0x40, s11  }
0x8a: {  	v0 =	vld [tilespmem:s10+$0x400];
	_ =	sdelay $0x4  }
0x8b: {  	v1 =	vshll.u32 v0, $0x2  }
0x8c: {  	v2 =	vshrl.u32 v0, $0xD;
	v0 =	vand.u32 $0xFFFF8000, v0;
	v1 =	vand.u32 $0x7FFC, v1  }
0x8d: {  	v63 =	vand.u32 $0x3, v2;
	v0 =	vor.u32 v0, v1  }
0x8e: {  	v0 =	vor.u32 v63, v0  }
0x8f: {  	[tilespmem:s10+$0x400] =	vst v0  }
0x90: {  	_ =	swait.ge [sflag:s7], $0x8000  }
0x91: {  	[sflag:s7] =	ssyncset.done $0x0  }
0x92: {  	[sflag:s7] =	ssyncadd.s32 $0xFFFF8000  }
0x93: {  	[tilespmem:s1], [sflag:$0x5] =	stream.indirect.gather [hbm4b:s13+s25], $0x20, s25, s25, $0xb8;
	[tilespmem:$0x18C00] =	vst v63  }
0x94: {  	_ =	swait.ge [sflag:s0], $0x8000  }
0x95: {  	[sflag:s0] =	ssyncset.done $0x0  }
0x96: {  	s10 =	simm.s32 $0x0;
	[sflag:s0] =	ssyncadd.s32 $0xFFFF8000  }
0x97: {  	[hbm4b:s18+s10] =	stream.linear.scatter [tilespmem:s1], [sflag:$0x8], $0x8000, $0x38;
	[tilespmem:$0x18C00] =	vst v63  }
0x98: {  	s11 =	rddreg [dreg:$0xa]  }
0x99: {  	[tilespmem:s25], [sflag:$0x2] =	stream.linear.gather [hbm4b:s11+s10], $0x400, $0x38;
	[tilespmem:$0x18C00] =	vst v63  }
0x9a: {  	_ =	swait.ge [sflag:s3], $0x400  }
0x9b: {  	[sflag:s3] =	ssyncset.done $0x0  }
0x9c: {  	s10 =	simm.s32 $0x0;
	s11 =	simm.s32 $0x40;
	[sflag:s3] =	ssyncadd.s32 $0xFFFFFC00  }
.LBB2_12:
0x9d: {  	p0 =	sne.s32 s11, $0xFC0;
	v0 =	vld [tilespmem:s10+$0x800];
	_ =	sdelay $0x4  }
.Ltmp5:
0x9e: {  	v1 =	vshll.u32 v0, $0x2;
	(pc) =	sbr.rel @p0 .LBB2_12-.Ltmp5, $4  }
0x9f: {  	v2 =	vshrl.u32 v0, $0xD;
	v0 =	vand.u32 $0xFFFF8000, v0;
	v1 =	vand.u32 $0x7FFC, v1  }
0xa0: {  	v0 =	vor.u32 v0, v1;
	v1 =	vand.u32 $0x3, v2  }
0xa1: {  	v0 =	vor.u32 v1, v0  }
0xa2: {  	[tilespmem:s10+$0x800] =	vst v0;
	s10 =	sshra.s32 s11, $0x2;
	s11 =	sadd.s32 $0x40, s11  }
0xa3: {  	v0 =	vld [tilespmem:s10+$0x800];
	_ =	sdelay $0x4  }
0xa4: {  	v1 =	vshll.u32 v0, $0x2  }
0xa5: {  	v2 =	vshrl.u32 v0, $0xD;
	v0 =	vand.u32 $0xFFFF8000, v0;
	v1 =	vand.u32 $0x7FFC, v1  }
0xa6: {  	v63 =	vand.u32 $0x3, v2;
	v0 =	vor.u32 v0, v1  }
0xa7: {  	v0 =	vor.u32 v63, v0  }
0xa8: {  	[tilespmem:s10+$0x800] =	vst v0  }
0xa9: {  	_ =	swait.ge [sflag:s8], $0x8000  }
0xaa: {  	[sflag:s8] =	ssyncset.done $0x0  }
0xab: {  	[sflag:s8] =	ssyncadd.s32 $0xFFFF8000  }
0xac: {  	[tilespmem:s4], [sflag:$0x6] =	stream.indirect.gather [hbm4b:s13+s25], $0x20, s26, s25, $0xb8;
	[tilespmem:$0x18C00] =	vst v63  }
0xad: {  	_ =	swait.ge [sflag:s5], $0x8000  }
0xae: {  	[sflag:s5] =	ssyncset.done $0x0  }
0xaf: {  	s10 =	simm.s32 $0x0;
	[sflag:s5] =	ssyncadd.s32 $0xFFFF8000  }
0xb0: {  	[hbm4b:s19+s10] =	stream.linear.scatter [tilespmem:s4], [sflag:$0x9], $0x8000, $0x38;
	[tilespmem:$0x18C00] =	vst v63  }
0xb1: {  	s11 =	rddreg [dreg:$0xb]  }
0xb2: {  	[tilespmem:s26], [sflag:$0x3] =	stream.linear.gather [hbm4b:s11+s10], $0x400, $0x38;
	[tilespmem:$0x18C00] =	vst v63  }
0xb3: {  	_ =	swait.ge [sflag:s28], $0x400  }
0xb4: {  	[sflag:s28] =	ssyncset.done $0x0  }
0xb5: {  	s10 =	simm.s32 $0x0;
	s11 =	simm.s32 $0x40;
	[sflag:s28] =	ssyncadd.s32 $0xFFFFFC00  }
.LBB2_14:
0xb6: {  	p0 =	sne.s32 s11, $0xFC0;
	v0 =	vld [tilespmem:s10+$0x0];
	_ =	sdelay $0x4  }
.Ltmp6:
0xb7: {  	v1 =	vshll.u32 v0, $0x2;
	(pc) =	sbr.rel @p0 .LBB2_14-.Ltmp6, $4  }
0xb8: {  	v2 =	vshrl.u32 v0, $0xD;
	v0 =	vand.u32 $0xFFFF8000, v0;
	v1 =	vand.u32 $0x7FFC, v1  }
0xb9: {  	v0 =	vor.u32 v0, v1;
	v1 =	vand.u32 $0x3, v2  }
0xba: {  	v0 =	vor.u32 v1, v0  }
0xbb: {  	[tilespmem:s10+$0x0] =	vst v0;
	s10 =	sshra.s32 s11, $0x2;
	s11 =	sadd.s32 $0x40, s11  }
0xbc: {  	v0 =	vld [tilespmem:s10+$0x0];
	_ =	sdelay $0x4  }
0xbd: {  	v1 =	vshll.u32 v0, $0x2  }
0xbe: {  	v2 =	vshrl.u32 v0, $0xD;
	v0 =	vand.u32 $0xFFFF8000, v0;
	v1 =	vand.u32 $0x7FFC, v1  }
0xbf: {  	v63 =	vand.u32 $0x3, v2;
	v0 =	vor.u32 v0, v1  }
0xc0: {  	v0 =	vor.u32 v63, v0  }
0xc1: {  	[tilespmem:s10+$0x0] =	vst v0  }
0xc2: {  	_ =	swait.ge [sflag:s6], $0x8000  }
0xc3: {  	[sflag:s6] =	ssyncset.done $0x0  }
0xc4: {  	s11 =	simm.s32 $0x0;
	[sflag:s6] =	ssyncadd.s32 $0xFFFF8000  }
0xc5: {  	[tilespmem:s29], [sflag:$0x4] =	stream.indirect.gather [hbm4b:s13+s25], $0x20, s11, s25, $0xb8;
	[tilespmem:$0x18C00] =	vst v63  }
0xc6: {  	_ =	swait.ge [sflag:s30], $0x8000  }
0xc7: {  	[sflag:s30] =	ssyncset.done $0x0  }
0xc8: {  	[sflag:s30] =	ssyncadd.s32 $0xFFFF8000  }
0xc9: {  	[hbm4b:s20+s11] =	stream.linear.scatter [tilespmem:s29], [sflag:$0x7], $0x8000, $0x38;
	[tilespmem:$0x18C00] =	vst v63  }
0xca: {  	_ = 	snop  }
0xcb: {  	[tilespmem:s11], [sflag:$0x1] =	stream.linear.gather [hbm4b:s12+s11], $0x400, $0x38;
	[tilespmem:$0x18C00] =	vst v63  }
0xcc: {  	_ =	swait.ge [sflag:s31], $0x400  }
0xcd: {  	[sflag:s31] =	ssyncset.done $0x0  }
0xce: {  	s10 =	simm.s32 $0x0;
	s11 =	simm.s32 $0x40;
	[sflag:s31] =	ssyncadd.s32 $0xFFFFFC00  }
.LBB2_16:
0xcf: {  	p0 =	sne.s32 s11, $0xFC0;
	v0 =	vld [tilespmem:s10+$0x400];
	_ =	sdelay $0x4  }
.Ltmp7:
0xd0: {  	v1 =	vshll.u32 v0, $0x2;
	(pc) =	sbr.rel @p0 .LBB2_16-.Ltmp7, $4  }
0xd1: {  	v2 =	vshrl.u32 v0, $0xD;
	v0 =	vand.u32 $0xFFFF8000, v0;
	v1 =	vand.u32 $0x7FFC, v1  }
0xd2: {  	v0 =	vor.u32 v0, v1;
	v1 =	vand.u32 $0x3, v2  }
0xd3: {  	v0 =	vor.u32 v1, v0  }
0xd4: {  	[tilespmem:s10+$0x400] =	vst v0;
	s10 =	sshra.s32 s11, $0x2;
	s11 =	sadd.s32 $0x40, s11  }
0xd5: {  	v0 =	vld [tilespmem:s10+$0x400];
	_ =	sdelay $0x4  }
0xd6: {  	v1 =	vshll.u32 v0, $0x2  }
0xd7: {  	v2 =	vshrl.u32 v0, $0xD;
	v0 =	vand.u32 $0xFFFF8000, v0;
	v1 =	vand.u32 $0x7FFC, v1  }
0xd8: {  	v63 =	vand.u32 $0x3, v2;
	v0 =	vor.u32 v0, v1  }
0xd9: {  	v0 =	vor.u32 v63, v0  }
0xda: {  	[tilespmem:s10+$0x400] =	vst v0  }
0xdb: {  	_ =	swait.ge [sflag:s7], $0x8000  }
0xdc: {  	[sflag:s7] =	ssyncset.done $0x0  }
0xdd: {  	[sflag:s7] =	ssyncadd.s32 $0xFFFF8000  }
0xde: {  	[tilespmem:s1], [sflag:$0x5] =	stream.indirect.gather [hbm4b:s13+s25], $0x20, s25, s25, $0xb8;
	[tilespmem:$0x18C00] =	vst v63  }
0xdf: {  	_ =	swait.ge [sflag:s0], $0x8000  }
0xe0: {  	[sflag:s0] =	ssyncset.done $0x0  }
0xe1: {  	s11 =	simm.s32 $0x0;
	[sflag:s0] =	ssyncadd.s32 $0xFFFF8000  }
0xe2: {  	[hbm4b:s21+s11] =	stream.linear.scatter [tilespmem:s1], [sflag:$0x8], $0x8000, $0x38;
	[tilespmem:$0x18C00] =	vst v63  }
0xe3: {  	_ =	swait.ge [sflag:s3], $0x400  }
0xe4: {  	[sflag:s3] =	ssyncset.done $0x0  }
0xe5: {  	s10 =	simm.s32 $0x0;
	s11 =	simm.s32 $0x40;
	[sflag:s3] =	ssyncadd.s32 $0xFFFFFC00  }
.LBB2_18:
0xe6: {  	p0 =	sne.s32 s11, $0xFC0;
	v0 =	vld [tilespmem:s10+$0x800];
	_ =	sdelay $0x4  }
.Ltmp8:
0xe7: {  	v1 =	vshll.u32 v0, $0x2;
	(pc) =	sbr.rel @p0 .LBB2_18-.Ltmp8, $4  }
0xe8: {  	v2 =	vshrl.u32 v0, $0xD;
	v0 =	vand.u32 $0xFFFF8000, v0;
	v1 =	vand.u32 $0x7FFC, v1  }
0xe9: {  	v0 =	vor.u32 v0, v1;
	v1 =	vand.u32 $0x3, v2  }
0xea: {  	v0 =	vor.u32 v1, v0  }
0xeb: {  	[tilespmem:s10+$0x800] =	vst v0;
	s10 =	sshra.s32 s11, $0x2;
	s11 =	sadd.s32 $0x40, s11  }
0xec: {  	v0 =	vld [tilespmem:s10+$0x800];
	_ =	sdelay $0x4  }
0xed: {  	v1 =	vshll.u32 v0, $0x2  }
0xee: {  	v2 =	vshrl.u32 v0, $0xD;
	v0 =	vand.u32 $0xFFFF8000, v0;
	v1 =	vand.u32 $0x7FFC, v1  }
0xef: {  	v63 =	vand.u32 $0x3, v2;
	v0 =	vor.u32 v0, v1  }
0xf0: {  	v0 =	vor.u32 v63, v0  }
0xf1: {  	[tilespmem:s10+$0x800] =	vst v0  }
0xf2: {  	_ =	swait.ge [sflag:s8], $0x8000  }
0xf3: {  	[sflag:s8] =	ssyncset.done $0x0  }
0xf4: {  	[sflag:s8] =	ssyncadd.s32 $0xFFFF8000  }
0xf5: {  	[tilespmem:s4], [sflag:$0x6] =	stream.indirect.gather [hbm4b:s13+s25], $0x20, s26, s25, $0xb8;
	[tilespmem:$0x18C00] =	vst v63  }
0xf6: {  	_ =	swait.ge [sflag:s5], $0x8000  }
0xf7: {  	[sflag:s5] =	ssyncset.done $0x0  }
0xf8: {  	s11 =	simm.s32 $0x0;
	[sflag:s5] =	ssyncadd.s32 $0xFFFF8000  }
0xf9: {  	[hbm4b:s22+s11] =	stream.linear.scatter [tilespmem:s4], [sflag:$0x9], $0x8000, $0x38;
	[tilespmem:$0x18C00] =	vst v63  }
0xfa: {  	_ =	swait.ge [sflag:s28], $0x400  }
0xfb: {  	[sflag:s28] =	ssyncset.done $0x0  }
0xfc: {  	s10 =	simm.s32 $0x0;
	s11 =	simm.s32 $0x40;
	[sflag:s28] =	ssyncadd.s32 $0xFFFFFC00  }
.LBB2_20:
0xfd: {  	p0 =	sne.s32 s11, $0xFC0;
	v0 =	vld [tilespmem:s10+$0x0];
	_ =	sdelay $0x4  }
.Ltmp9:
0xfe: {  	v1 =	vshll.u32 v0, $0x2;
	(pc) =	sbr.rel @p0 .LBB2_20-.Ltmp9, $4  }
0xff: {  	v2 =	vshrl.u32 v0, $0xD;
	v0 =	vand.u32 $0xFFFF8000, v0;
	v1 =	vand.u32 $0x7FFC, v1  }
0x100: {  	v0 =	vor.u32 v0, v1;
	v1 =	vand.u32 $0x3, v2  }
0x101: {  	v0 =	vor.u32 v1, v0  }
0x102: {  	[tilespmem:s10+$0x0] =	vst v0;
	s10 =	sshra.s32 s11, $0x2;
	s11 =	sadd.s32 $0x40, s11  }
0x103: {  	v0 =	vld [tilespmem:s10+$0x0];
	_ =	sdelay $0x4  }
0x104: {  	v1 =	vshll.u32 v0, $0x2  }
0x105: {  	v2 =	vshrl.u32 v0, $0xD;
	v0 =	vand.u32 $0xFFFF8000, v0;
	v1 =	vand.u32 $0x7FFC, v1  }
0x106: {  	v63 =	vand.u32 $0x3, v2;
	v0 =	vor.u32 v0, v1  }
0x107: {  	v0 =	vor.u32 v63, v0  }
0x108: {  	[tilespmem:s10+$0x0] =	vst v0  }
0x109: {  	_ =	swait.ge [sflag:s6], $0x8000  }
0x10a: {  	[sflag:s6] =	ssyncset.done $0x0  }
0x10b: {  	[sflag:s6] =	ssyncadd.s32 $0xFFFF8000  }
0x10c: {  	[tilespmem:s29], [sflag:$0x4] =	stream.indirect.gather [hbm4b:s13+s25], $0x20, s2, s25, $0xb8;
	[tilespmem:$0x18C00] =	vst v63  }
0x10d: {  	_ =	swait.ge [sflag:s30], $0x8000  }
0x10e: {  	[sflag:s30] =	ssyncset.done $0x0  }
0x10f: {  	[sflag:s30] =	ssyncadd.s32 $0xFFFF8000  }
0x110: {  	[hbm4b:s23+s2] =	stream.linear.scatter [tilespmem:s29], [sflag:$0x7], $0x8000, $0x38;
	[tilespmem:$0x18C00] =	vst v63  }
0x111: {  	_ =	swait.ge [sflag:s7], $0x8000  }
0x112: {  	[sflag:s7] =	ssyncset.done $0x0  }
0x113: {  	s9 =	sadd.s32 $0x1, s9;
	[sflag:s7] =	ssyncadd.s32 $0xFFFF8000  }
0x114: {  	p0 =	sne.s32 s9, s24;
	_ =	swait.ge [sflag:s8], $0x8000  }
.Ltmp10:
0x115: {  	[sflag:s8] =	ssyncset.done $0x0;
	(pc) =	sbr.rel @p0 .LBB2_1-.Ltmp10, $4  }
0x116: {  	[sflag:s8] =	ssyncadd.s32 $0xFFFF8000  }
0x117: {  	_ =	swait.ge [sflag:s6], $0x8000  }
0x118: {  	[sflag:s6] =	ssyncset.done $0x0  }
0x119: {  	[sflag:s6] =	ssyncadd.s32 $0xFFFF8000  }
0x11a: {  	_ =	sfence.sel $0x180000  }
0x11b: {  	[bflag:$0x0] =	sbarrier.arrive $0xFFFF  }
0x11c: {  	_ =	strace $0x90000047  }
0x11d: {  	s0 =	stileid.u32;
	[bflag:$0x2] =	sbarrier.arrive $0xFFFF  }
0x11e: {  	p0 =	sne.s32 s0, $0x0;
	s0 =	rddreg [dreg:$0x2]  }
0x11f: {  	s0 =	sadd.s32 @!p0 $0x100000, s0  }
0x120: {  	[sflag:s0] =	ssyncadd.tile.s32 @!p0 $0x1;
	_ =	shalt  }
.Lfunc_end2:
_tile_overlayer_lowered:
.L_overlay_start_2:
0x121: {  	(tag) =	ssettag $0x2  }
0x122: {  	s0 =	rddreg [dreg:$0x0];
	s2 =	stileid.u32  }
0x123: {  	s1 =	rddreg [dreg:$0x1];
	p0 =	sne.s32 s2, $0x0  }
0x124: {  	s3 =	rddreg [dreg:$0x2];
	[bflag:$0x3] =	sbarrier.arrive $0xFFFF;
	s2 =	simm.s32 @!p0 $0x1C0A  }
0x125: {  	[timem:s3], [sflag:s2] =	dma.local @!p0 [hbm:s0], s1  }
0x126: {  	s0 =	simm.s32 @!p0 $0xA  }
0x127: {  	_ =	swait.ge @!p0 [sflag:s0], s1  }
0x128: {  	s1 =	ssub.s32 @!p0 $0x0, s1;
	[sflag:s0] =	ssyncset.done @!p0 $0x0  }
0x129: {  	[sflag:s0] =	ssyncadd.s32 @!p0 s1  }
0x12a: {  	[bflag:$0x3] =	sbarrier.arrive $0xFFFF  }
0x12b: {  	_ =	shalt  }

</sc_bundles>
